<compile_context>
chip_gen: v7x
topology: tpu7x:2x2x1
jax: 0.10.2.dev20260603
libtpu: 0.0.44.dev20260713+nightly
codegen_flags: <defaults>
</compile_context>

<pallas_src>
import functools

import jax
import jax.numpy as jnp
from jax import lax
from jax.experimental import pallas as pl
from jax.experimental.pallas import tpu as pltpu
from jax.experimental.pallas import tpu_sc as plsc

VOCAB = 100000
HID = 128
MAX_POS = 512
B, L = 1024, 200
NTOK = B * L
NLANE = 16
NVEC = HID // NLANE
NW = 32
TOK_PER_W = NTOK // NW
CHUNK = 128
NCHUNK = TOK_PER_W // CHUNK
EPS = 1e-12


_GDN = lax.GatherDimensionNumbers(
    offset_dims=(), collapsed_slice_dims=(0,), start_index_map=(0,))


def _shuffle16(v, idx):
    return lax.gather(v, idx[:, None], _GDN, slice_sizes=(1,),
                      mode=lax.GatherScatterMode.PROMISE_IN_BOUNDS)


def _hsum16(v):
    for o in (1, 2, 4, 8):
        idx = lax.iota(jnp.int32, 16) ^ o
        v = v + _shuffle16(v, idx)
    return v


def _rsqrt16(v):
    bits = lax.bitcast_convert_type(v, jnp.int32)
    y = lax.bitcast_convert_type(
        jnp.int32(0x5F3759DF) - lax.shift_right_arithmetic(bits, 1),
        jnp.float32)
    for _ in range(3):
        y = y * (1.5 - 0.5 * v * y * y)
    return y


def _make_kernel():
    mesh = plsc.VectorSubcoreMesh(core_axis_name="c", subcore_axis_name="s")

    @functools.partial(
        pl.kernel,
        mesh=mesh,
        out_type=jax.ShapeDtypeStruct((NTOK, HID), jnp.float32),
        scratch_types=[
            pltpu.VMEM((CHUNK,), jnp.int32),
            pltpu.VMEM((CHUNK, HID), jnp.float32),
            pltpu.VMEM((L, HID), jnp.float32),
            pltpu.VMEM((HID,), jnp.float32),
            pltpu.VMEM((HID,), jnp.float32),
            pltpu.SemaphoreType.DMA,
        ],
    )
    def emb_ln(ids_hbm, word_hbm, pos_hbm, gamma_hbm, beta_hbm, out_hbm,
               idx_v, rows_v, pos_v, g_v, b_v, sem):
        wid = lax.axis_index("s") * 2 + lax.axis_index("c")

        pltpu.sync_copy(pos_hbm.at[pl.ds(0, L)], pos_v)
        pltpu.sync_copy(gamma_hbm, g_v)
        pltpu.sync_copy(beta_hbm, b_v)

        g = [g_v[pl.ds(k * NLANE, NLANE)] for k in range(NVEC)]
        bt = [b_v[pl.ds(k * NLANE, NLANE)] for k in range(NVEC)]

        def row_body(r, tok_base):
            pidx = lax.rem(tok_base + r, L)
            e = []
            s = None
            s2 = None
            for k in range(NVEC):
                w = rows_v[r, pl.ds(k * NLANE, NLANE)]
                p = pos_v[pidx, pl.ds(k * NLANE, NLANE)]
                ek = w + p
                e.append(ek)
                s = ek if s is None else s + ek
                s2 = ek * ek if s2 is None else s2 + ek * ek
            mv = _hsum16(s) * (1.0 / HID)
            var = _hsum16(s2) * (1.0 / HID) - mv * mv
            inv = _rsqrt16(var + EPS)
            for k in range(NVEC):
                x = (e[k] - mv) * inv
                rows_v[r, pl.ds(k * NLANE, NLANE)] = x * g[k] + bt[k]
            return tok_base

        def chunk_body(c, _):
            tok_base = wid * TOK_PER_W + c * CHUNK
            pltpu.sync_copy(ids_hbm.at[pl.ds(tok_base, CHUNK)], idx_v)
            pltpu.async_copy(word_hbm.at[idx_v], rows_v, sem).wait()
            lax.fori_loop(0, CHUNK, row_body, tok_base)
            pltpu.sync_copy(rows_v, out_hbm.at[pl.ds(tok_base, CHUNK)])
            return 0

        lax.fori_loop(0, NCHUNK, chunk_body, 0)

    return emb_ln


_emb_ln = _make_kernel()


@jax.jit
def kernel(input_ids, word_emb, pos_emb, gamma, beta):
    ids_flat = input_ids.reshape(NTOK)
    out = _emb_ln(ids_flat, word_emb, pos_emb, gamma, beta)
    return out.reshape(B, L, HID)

# --- scband reference (transcript-rebuilt; emitter-appended) ---
"""Pipeline reference for scband-bert-decoder-embeddings-9363028705309 (READ-ONLY COPY).

The authoritative reference and input builder live on the scoring server;
editing this copy changes nothing except your own understanding.
"""

import jax, jax.numpy as jnp
import numpy as np

VOCAB = 100000
HID = 128
MAX_POS = 512
B, L = 1024, 200


def setup_inputs(seed: int = 0) -> dict:
    key = jax.random.key(seed)
    k1, k2, k3 = jax.random.split(key, 3)
    input_ids = jax.random.randint(k1, (B, L), 0, VOCAB, dtype=jnp.int32)
    word_emb = jax.random.normal(k2, (VOCAB, HID), dtype=jnp.float32) * 0.02
    pos_emb = jax.random.normal(k3, (MAX_POS, HID), dtype=jnp.float32) * 0.02
    gamma = jnp.ones((HID,), dtype=jnp.float32)
    beta = jnp.zeros((HID,), dtype=jnp.float32)
    return {"input_ids": input_ids, "word_emb": word_emb, "pos_emb": pos_emb, "gamma": gamma, "beta": beta}


def reference(input_ids, word_emb, pos_emb, gamma, beta):
    seq_length = input_ids.shape[1]
    position_ids = jnp.arange(seq_length, dtype=jnp.int32)[None, :]
    position_ids = jnp.broadcast_to(position_ids, input_ids.shape)
    words_embeddings = jnp.take(word_emb, input_ids, axis=0)
    position_embeddings = jnp.take(pos_emb, position_ids, axis=0)
    embeddings = words_embeddings + position_embeddings
    # DecoderBertLayerNorm with eps=1e-12
    mu = jnp.mean(embeddings, axis=-1, keepdims=True)
    var = jnp.mean((embeddings - mu) ** 2, axis=-1, keepdims=True)
    x = (embeddings - mu) / jnp.sqrt(var + 1e-12)
    out = gamma * x + beta
    # dropout is identity in eval mode
    return out

if __name__ == "__main__":
    import jax
    _d = setup_inputs()
    print(jax.jit(kernel)(*tuple(_d.values())))

</pallas_src>

<mosaic_0001>
#map = affine_map<(d0, d1) -> (0)>
#map1 = affine_map<(d0, d1) -> (0, 0)>
module attributes {stable_mosaic.version = 14 : i64} {
  func.func @emb_ln(%arg0: i32, %arg1: i32, %arg2: memref<204800xi32, #tpu.memory_space<hbm>>, %arg3: memref<100000x128xf32, #tpu.memory_space<hbm>>, %arg4: memref<512x128xf32, #tpu.memory_space<hbm>>, %arg5: memref<128xf32, #tpu.memory_space<hbm>>, %arg6: memref<128xf32, #tpu.memory_space<hbm>>, %arg7: memref<204800x128xf32, #tpu.memory_space<hbm>>, %arg8: memref<128xi32, #tpu.memory_space<vmem>>, %arg9: memref<128x128xf32, #tpu.memory_space<vmem>>, %arg10: memref<200x128xf32, #tpu.memory_space<vmem>>, %arg11: memref<128xf32, #tpu.memory_space<vmem>>, %arg12: memref<128xf32, #tpu.memory_space<vmem>>, %arg13: memref<!tpu.dma_semaphore, #tpu.memory_space<semaphore_mem>>) attributes {dimension_semantics = [#tpu.dimension_semantics<core_parallel>, #tpu.dimension_semantics<subcore_parallel>], iteration_bounds = array<i64: 2, 16>, scalar_prefetch = 0 : i64, scratch_operands = 6 : i64, tpu.core_type = #tpu.core_type<sc_vector_subcore>, window_params = [{transform_indices = #map}, {transform_indices = #map1}, {transform_indices = #map1}, {transform_indices = #map}, {transform_indices = #map}, {transform_indices = #map1}]} {
    %mul3A = arith.constant 2 : i32
    %mul3A_0 = arith.muli %arg1, %mul3A : i32
    %add3A = arith.addi %mul3A_0, %arg0 : i32
    "tpu.region"() ({
      %run_scoped3A = tpu.sem_alloc : memref<!tpu.dma_semaphore, #tpu.memory_space<semaphore_mem>>
      %dma_start3A = arith.constant 0 : i32
      %dma_start3A_54 = arith.constant 0 : i32
      %dma_start3A_55 = tpu.memref_slice %arg4[%dma_start3A, %dma_start3A_54] : memref<512x128xf32, #tpu.memory_space<hbm>> -> memref<200x128xf32, #tpu.memory_space<hbm>>
      %dma_start3A_56 = arith.constant 0 : i32
      %dma_start3A_57 = arith.constant 0 : i32
      %dma_start3A_58 = tpu.memref_slice %arg4[%dma_start3A_56, %dma_start3A_57] : memref<512x128xf32, #tpu.memory_space<hbm>> -> memref<200x128xf32, #tpu.memory_space<hbm>>
      tpu.enqueue_dma source(%dma_start3A_58 : memref<200x128xf32, #tpu.memory_space<hbm>>) target(%arg10 : memref<200x128xf32, #tpu.memory_space<vmem>>) target_semaphore(%run_scoped3A : memref<!tpu.dma_semaphore, #tpu.memory_space<semaphore_mem>>)
      %dma_wait3A = arith.constant 0 : i32
      %dma_wait3A_59 = arith.constant 0 : i32
      %dma_wait3A_60 = tpu.memref_slice %arg4[%dma_wait3A, %dma_wait3A_59] : memref<512x128xf32, #tpu.memory_space<hbm>> -> memref<200x128xf32, #tpu.memory_space<hbm>>
      %dma_wait3A_61 = arith.constant 0 : i32
      %dma_wait3A_62 = arith.constant 0 : i32
      %dma_wait3A_63 = tpu.memref_slice %arg4[%dma_wait3A_61, %dma_wait3A_62] : memref<512x128xf32, #tpu.memory_space<hbm>> -> memref<200x128xf32, #tpu.memory_space<hbm>>
      tpu.wait_dma2 semaphore(%run_scoped3A : memref<!tpu.dma_semaphore, #tpu.memory_space<semaphore_mem>>) src(%dma_wait3A_63 : memref<200x128xf32, #tpu.memory_space<hbm>>) dst(%arg10 : memref<200x128xf32, #tpu.memory_space<vmem>>)
      tpu.yield
    }) : () -> ()
    "tpu.region"() ({
      %run_scoped3A = tpu.sem_alloc : memref<!tpu.dma_semaphore, #tpu.memory_space<semaphore_mem>>
      tpu.enqueue_dma source(%arg5 : memref<128xf32, #tpu.memory_space<hbm>>) target(%arg11 : memref<128xf32, #tpu.memory_space<vmem>>) target_semaphore(%run_scoped3A : memref<!tpu.dma_semaphore, #tpu.memory_space<semaphore_mem>>)
      tpu.wait_dma2 semaphore(%run_scoped3A : memref<!tpu.dma_semaphore, #tpu.memory_space<semaphore_mem>>) src(%arg5 : memref<128xf32, #tpu.memory_space<hbm>>) dst(%arg11 : memref<128xf32, #tpu.memory_space<vmem>>)
      tpu.yield
    }) : () -> ()
    "tpu.region"() ({
      %run_scoped3A = tpu.sem_alloc : memref<!tpu.dma_semaphore, #tpu.memory_space<semaphore_mem>>
      tpu.enqueue_dma source(%arg6 : memref<128xf32, #tpu.memory_space<hbm>>) target(%arg12 : memref<128xf32, #tpu.memory_space<vmem>>) target_semaphore(%run_scoped3A : memref<!tpu.dma_semaphore, #tpu.memory_space<semaphore_mem>>)
      tpu.wait_dma2 semaphore(%run_scoped3A : memref<!tpu.dma_semaphore, #tpu.memory_space<semaphore_mem>>) src(%arg6 : memref<128xf32, #tpu.memory_space<hbm>>) dst(%arg12 : memref<128xf32, #tpu.memory_space<vmem>>)
      tpu.yield
    }) : () -> ()
    %get3A = arith.constant 0 : index
    %get3A_1 = tpu.vector_load %arg11[%get3A] {strides = array<i32>} : memref<128xf32, #tpu.memory_space<vmem>>, vector<16xf32>,
    %get3A_2 = vector.shape_cast %get3A_1 : vector<16xf32> to vector<16xf32>
    %get3A_3 = arith.constant 16 : index
    %get3A_4 = tpu.vector_load %arg11[%get3A_3] {strides = array<i32>} : memref<128xf32, #tpu.memory_space<vmem>>, vector<16xf32>,
    %get3A_5 = vector.shape_cast %get3A_4 : vector<16xf32> to vector<16xf32>
    %get3A_6 = arith.constant 32 : index
    %get3A_7 = tpu.vector_load %arg11[%get3A_6] {strides = array<i32>} : memref<128xf32, #tpu.memory_space<vmem>>, vector<16xf32>,
    %get3A_8 = vector.shape_cast %get3A_7 : vector<16xf32> to vector<16xf32>
    %get3A_9 = arith.constant 48 : index
    %get3A_10 = tpu.vector_load %arg11[%get3A_9] {strides = array<i32>} : memref<128xf32, #tpu.memory_space<vmem>>, vector<16xf32>,
    %get3A_11 = vector.shape_cast %get3A_10 : vector<16xf32> to vector<16xf32>
    %get3A_12 = arith.constant 64 : index
    %get3A_13 = tpu.vector_load %arg11[%get3A_12] {strides = array<i32>} : memref<128xf32, #tpu.memory_space<vmem>>, vector<16xf32>,
    %get3A_14 = vector.shape_cast %get3A_13 : vector<16xf32> to vector<16xf32>
    %get3A_15 = arith.constant 80 : index
    %get3A_16 = tpu.vector_load %arg11[%get3A_15] {strides = array<i32>} : memref<128xf32, #tpu.memory_space<vmem>>, vector<16xf32>,
    %get3A_17 = vector.shape_cast %get3A_16 : vector<16xf32> to vector<16xf32>
    %get3A_18 = arith.constant 96 : index
    %get3A_19 = tpu.vector_load %arg11[%get3A_18] {strides = array<i32>} : memref<128xf32, #tpu.memory_space<vmem>>, vector<16xf32>,
    %get3A_20 = vector.shape_cast %get3A_19 : vector<16xf32> to vector<16xf32>
    %get3A_21 = arith.constant 112 : index
    %get3A_22 = tpu.vector_load %arg11[%get3A_21] {strides = array<i32>} : memref<128xf32, #tpu.memory_space<vmem>>, vector<16xf32>,
    %get3A_23 = vector.shape_cast %get3A_22 : vector<16xf32> to vector<16xf32>
    %get3A_24 = arith.constant 0 : index
    %get3A_25 = tpu.vector_load %arg12[%get3A_24] {strides = array<i32>} : memref<128xf32, #tpu.memory_space<vmem>>, vector<16xf32>,
    %get3A_26 = vector.shape_cast %get3A_25 : vector<16xf32> to vector<16xf32>
    %get3A_27 = arith.constant 16 : index
    %get3A_28 = tpu.vector_load %arg12[%get3A_27] {strides = array<i32>} : memref<128xf32, #tpu.memory_space<vmem>>, vector<16xf32>,
    %get3A_29 = vector.shape_cast %get3A_28 : vector<16xf32> to vector<16xf32>
    %get3A_30 = arith.constant 32 : index
    %get3A_31 = tpu.vector_load %arg12[%get3A_30] {strides = array<i32>} : memref<128xf32, #tpu.memory_space<vmem>>, vector<16xf32>,
    %get3A_32 = vector.shape_cast %get3A_31 : vector<16xf32> to vector<16xf32>
    %get3A_33 = arith.constant 48 : index
    %get3A_34 = tpu.vector_load %arg12[%get3A_33] {strides = array<i32>} : memref<128xf32, #tpu.memory_space<vmem>>, vector<16xf32>,
    %get3A_35 = vector.shape_cast %get3A_34 : vector<16xf32> to vector<16xf32>
    %get3A_36 = arith.constant 64 : index
    %get3A_37 = tpu.vector_load %arg12[%get3A_36] {strides = array<i32>} : memref<128xf32, #tpu.memory_space<vmem>>, vector<16xf32>,
    %get3A_38 = vector.shape_cast %get3A_37 : vector<16xf32> to vector<16xf32>
    %get3A_39 = arith.constant 80 : index
    %get3A_40 = tpu.vector_load %arg12[%get3A_39] {strides = array<i32>} : memref<128xf32, #tpu.memory_space<vmem>>, vector<16xf32>,
    %get3A_41 = vector.shape_cast %get3A_40 : vector<16xf32> to vector<16xf32>
    %get3A_42 = arith.constant 96 : index
    %get3A_43 = tpu.vector_load %arg12[%get3A_42] {strides = array<i32>} : memref<128xf32, #tpu.memory_space<vmem>>, vector<16xf32>,
    %get3A_44 = vector.shape_cast %get3A_43 : vector<16xf32> to vector<16xf32>
    %get3A_45 = arith.constant 112 : index
    %get3A_46 = tpu.vector_load %arg12[%get3A_45] {strides = array<i32>} : memref<128xf32, #tpu.memory_space<vmem>>, vector<16xf32>,
    %get3A_47 = vector.shape_cast %get3A_46 : vector<16xf32> to vector<16xf32>
    %scan3A = arith.constant 0 : i32
    %scan3A_48 = arith.constant 0 : i32
    %scan3A_49 = arith.constant 50 : i32
    %scan3A_50 = arith.addi %scan3A_48, %scan3A_49 : i32
    %scan3A_51 = arith.constant 1 : i32
    %scan3A_52 = scf.for %scan3A_54 = %scan3A_48 to %scan3A_50 step %scan3A_51 iter_args(%scan3A_55 = %scan3A) -> (i32)  : i32 {
      %mul3A_56 = arith.constant 6400 : i32
      %mul3A_57 = arith.muli %add3A, %mul3A_56 : i32
      %mul3A_58 = arith.constant 128 : i32
      %mul3A_59 = arith.muli %scan3A_54, %mul3A_58 : i32
      %add3A_60 = arith.addi %mul3A_57, %mul3A_59 : i32
      "tpu.region"() ({
        %run_scoped3A = tpu.sem_alloc : memref<!tpu.dma_semaphore, #tpu.memory_space<semaphore_mem>>
        %dma_start3A_71 = tpu.memref_slice %arg2[%add3A_60] : memref<204800xi32, #tpu.memory_space<hbm>> -> memref<128xi32, #tpu.memory_space<hbm>>
        %dma_start3A_72 = tpu.memref_slice %arg2[%add3A_60] : memref<204800xi32, #tpu.memory_space<hbm>> -> memref<128xi32, #tpu.memory_space<hbm>>
        tpu.enqueue_dma source(%dma_start3A_72 : memref<128xi32, #tpu.memory_space<hbm>>) target(%arg8 : memref<128xi32, #tpu.memory_space<vmem>>) target_semaphore(%run_scoped3A : memref<!tpu.dma_semaphore, #tpu.memory_space<semaphore_mem>>)
        %dma_wait3A_73 = tpu.memref_slice %arg2[%add3A_60] : memref<204800xi32, #tpu.memory_space<hbm>> -> memref<128xi32, #tpu.memory_space<hbm>>
        %dma_wait3A_74 = tpu.memref_slice %arg2[%add3A_60] : memref<204800xi32, #tpu.memory_space<hbm>> -> memref<128xi32, #tpu.memory_space<hbm>>
        tpu.wait_dma2 semaphore(%run_scoped3A : memref<!tpu.dma_semaphore, #tpu.memory_space<semaphore_mem>>) src(%dma_wait3A_74 : memref<128xi32, #tpu.memory_space<hbm>>) dst(%arg8 : memref<128xi32, #tpu.memory_space<vmem>>)
        tpu.yield
      }) : () -> ()
      %dma_start3A = arith.constant 0 : i32
      %dma_start3A_61 = arith.constant 0 : i32
      %dma_start3A_62 = tpu.memref_slice %arg3[%dma_start3A, %dma_start3A_61] : memref<100000x128xf32, #tpu.memory_space<hbm>> -> memref<100000x128xf32, #tpu.memory_space<hbm>>
      tpu.enqueue_indirect_dma source(%dma_start3A_62 : memref<100000x128xf32, #tpu.memory_space<hbm>>) target(%arg9 : memref<128x128xf32, #tpu.memory_space<vmem>>) offsets(%arg8 : memref<128xi32, #tpu.memory_space<vmem>>) semaphore(%arg13 : memref<!tpu.dma_semaphore, #tpu.memory_space<semaphore_mem>>)
      %dma_wait3A = arith.constant 0 : i32
      %dma_wait3A_63 = arith.constant 0 : i32
      %dma_wait3A_64 = tpu.memref_slice %arg3[%dma_wait3A, %dma_wait3A_63] : memref<100000x128xf32, #tpu.memory_space<hbm>> -> memref<100000x128xf32, #tpu.memory_space<hbm>>
      tpu.wait_indirect_dma semaphore(%arg13 : memref<!tpu.dma_semaphore, #tpu.memory_space<semaphore_mem>>) src(%dma_wait3A_64 : memref<100000x128xf32, #tpu.memory_space<hbm>>) dst(%arg9 : memref<128x128xf32, #tpu.memory_space<vmem>>)
      %scan3A_65 = arith.constant 0 : i32
      %scan3A_66 = arith.constant 128 : i32
      %scan3A_67 = arith.addi %scan3A_65, %scan3A_66 : i32
      %scan3A_68 = arith.constant 1 : i32
      scf.for %scan3A_71 = %scan3A_65 to %scan3A_67 step %scan3A_68  : i32 {
        %add3A_72 = arith.addi %add3A_60, %scan3A_71 : i32
        %rem3A = arith.constant 200 : i32
        %rem3A_73 = arith.remsi %add3A_72, %rem3A : i32
        %get3A_74 = arith.index_cast %scan3A_71 : i32 to index
        %get3A_75 = arith.constant 0 : index
        %get3A_76 = tpu.vector_load %arg9[%get3A_74, %get3A_75] {strides = array<i32>} : memref<128x128xf32, #tpu.memory_space<vmem>>, vector<1x16xf32>,
        %get3A_77 = vector.shape_cast %get3A_76 : vector<1x16xf32> to vector<16xf32>
        %get3A_78 = arith.index_cast %rem3A_73 : i32 to index
        %get3A_79 = arith.constant 0 : index
        %get3A_80 = tpu.vector_load %arg10[%get3A_78, %get3A_79] {strides = array<i32>} : memref<200x128xf32, #tpu.memory_space<vmem>>, vector<1x16xf32>,
        %get3A_81 = vector.shape_cast %get3A_80 : vector<1x16xf32> to vector<16xf32>
        %add3A_82 = arith.addf %get3A_77, %get3A_81 : vector<16xf32>
        %mul3A_83 = arith.mulf %add3A_82, %add3A_82 : vector<16xf32>
        %get3A_84 = arith.index_cast %scan3A_71 : i32 to index
        %get3A_85 = arith.constant 16 : index
        %get3A_86 = tpu.vector_load %arg9[%get3A_84, %get3A_85] {strides = array<i32>} : memref<128x128xf32, #tpu.memory_space<vmem>>, vector<1x16xf32>,
        %get3A_87 = vector.shape_cast %get3A_86 : vector<1x16xf32> to vector<16xf32>
        %get3A_88 = arith.index_cast %rem3A_73 : i32 to index
        %get3A_89 = arith.constant 16 : index
        %get3A_90 = tpu.vector_load %arg10[%get3A_88, %get3A_89] {strides = array<i32>} : memref<200x128xf32, #tpu.memory_space<vmem>>, vector<1x16xf32>,
        %get3A_91 = vector.shape_cast %get3A_90 : vector<1x16xf32> to vector<16xf32>
        %add3A_92 = arith.addf %get3A_87, %get3A_91 : vector<16xf32>
        %add3A_93 = arith.addf %add3A_82, %add3A_92 : vector<16xf32>
        %mul3A_94 = arith.mulf %add3A_92, %add3A_92 : vector<16xf32>
        %add3A_95 = arith.addf %mul3A_83, %mul3A_94 : vector<16xf32>
        %get3A_96 = arith.index_cast %scan3A_71 : i32 to index
        %get3A_97 = arith.constant 32 : index
        %get3A_98 = tpu.vector_load %arg9[%get3A_96, %get3A_97] {strides = array<i32>} : memref<128x128xf32, #tpu.memory_space<vmem>>, vector<1x16xf32>,
        %get3A_99 = vector.shape_cast %get3A_98 : vector<1x16xf32> to vector<16xf32>
        %get3A_100 = arith.index_cast %rem3A_73 : i32 to index
        %get3A_101 = arith.constant 32 : index
        %get3A_102 = tpu.vector_load %arg10[%get3A_100, %get3A_101] {strides = array<i32>} : memref<200x128xf32, #tpu.memory_space<vmem>>, vector<1x16xf32>,
        %get3A_103 = vector.shape_cast %get3A_102 : vector<1x16xf32> to vector<16xf32>
        %add3A_104 = arith.addf %get3A_99, %get3A_103 : vector<16xf32>
        %add3A_105 = arith.addf %add3A_93, %add3A_104 : vector<16xf32>
        %mul3A_106 = arith.mulf %add3A_104, %add3A_104 : vector<16xf32>
        %add3A_107 = arith.addf %add3A_95, %mul3A_106 : vector<16xf32>
        %get3A_108 = arith.index_cast %scan3A_71 : i32 to index
        %get3A_109 = arith.constant 48 : index
        %get3A_110 = tpu.vector_load %arg9[%get3A_108, %get3A_109] {strides = array<i32>} : memref<128x128xf32, #tpu.memory_space<vmem>>, vector<1x16xf32>,
        %get3A_111 = vector.shape_cast %get3A_110 : vector<1x16xf32> to vector<16xf32>
        %get3A_112 = arith.index_cast %rem3A_73 : i32 to index
        %get3A_113 = arith.constant 48 : index
        %get3A_114 = tpu.vector_load %arg10[%get3A_112, %get3A_113] {strides = array<i32>} : memref<200x128xf32, #tpu.memory_space<vmem>>, vector<1x16xf32>,
        %get3A_115 = vector.shape_cast %get3A_114 : vector<1x16xf32> to vector<16xf32>
        %add3A_116 = arith.addf %get3A_111, %get3A_115 : vector<16xf32>
        %add3A_117 = arith.addf %add3A_105, %add3A_116 : vector<16xf32>
        %mul3A_118 = arith.mulf %add3A_116, %add3A_116 : vector<16xf32>
        %add3A_119 = arith.addf %add3A_107, %mul3A_118 : vector<16xf32>
        %get3A_120 = arith.index_cast %scan3A_71 : i32 to index
        %get3A_121 = arith.constant 64 : index
        %get3A_122 = tpu.vector_load %arg9[%get3A_120, %get3A_121] {strides = array<i32>} : memref<128x128xf32, #tpu.memory_space<vmem>>, vector<1x16xf32>,
        %get3A_123 = vector.shape_cast %get3A_122 : vector<1x16xf32> to vector<16xf32>
        %get3A_124 = arith.index_cast %rem3A_73 : i32 to index
        %get3A_125 = arith.constant 64 : index
        %get3A_126 = tpu.vector_load %arg10[%get3A_124, %get3A_125] {strides = array<i32>} : memref<200x128xf32, #tpu.memory_space<vmem>>, vector<1x16xf32>,
        %get3A_127 = vector.shape_cast %get3A_126 : vector<1x16xf32> to vector<16xf32>
        %add3A_128 = arith.addf %get3A_123, %get3A_127 : vector<16xf32>
        %add3A_129 = arith.addf %add3A_117, %add3A_128 : vector<16xf32>
        %mul3A_130 = arith.mulf %add3A_128, %add3A_128 : vector<16xf32>
        %add3A_131 = arith.addf %add3A_119, %mul3A_130 : vector<16xf32>
        %get3A_132 = arith.index_cast %scan3A_71 : i32 to index
        %get3A_133 = arith.constant 80 : index
        %get3A_134 = tpu.vector_load %arg9[%get3A_132, %get3A_133] {strides = array<i32>} : memref<128x128xf32, #tpu.memory_space<vmem>>, vector<1x16xf32>,
        %get3A_135 = vector.shape_cast %get3A_134 : vector<1x16xf32> to vector<16xf32>
        %get3A_136 = arith.index_cast %rem3A_73 : i32 to index
        %get3A_137 = arith.constant 80 : index
        %get3A_138 = tpu.vector_load %arg10[%get3A_136, %get3A_137] {strides = array<i32>} : memref<200x128xf32, #tpu.memory_space<vmem>>, vector<1x16xf32>,
        %get3A_139 = vector.shape_cast %get3A_138 : vector<1x16xf32> to vector<16xf32>
        %add3A_140 = arith.addf %get3A_135, %get3A_139 : vector<16xf32>
        %add3A_141 = arith.addf %add3A_129, %add3A_140 : vector<16xf32>
        %mul3A_142 = arith.mulf %add3A_140, %add3A_140 : vector<16xf32>
        %add3A_143 = arith.addf %add3A_131, %mul3A_142 : vector<16xf32>
        %get3A_144 = arith.index_cast %scan3A_71 : i32 to index
        %get3A_145 = arith.constant 96 : index
        %get3A_146 = tpu.vector_load %arg9[%get3A_144, %get3A_145] {strides = array<i32>} : memref<128x128xf32, #tpu.memory_space<vmem>>, vector<1x16xf32>,
        %get3A_147 = vector.shape_cast %get3A_146 : vector<1x16xf32> to vector<16xf32>
        %get3A_148 = arith.index_cast %rem3A_73 : i32 to index
        %get3A_149 = arith.constant 96 : index
        %get3A_150 = tpu.vector_load %arg10[%get3A_148, %get3A_149] {strides = array<i32>} : memref<200x128xf32, #tpu.memory_space<vmem>>, vector<1x16xf32>,
        %get3A_151 = vector.shape_cast %get3A_150 : vector<1x16xf32> to vector<16xf32>
        %add3A_152 = arith.addf %get3A_147, %get3A_151 : vector<16xf32>
        %add3A_153 = arith.addf %add3A_141, %add3A_152 : vector<16xf32>
        %mul3A_154 = arith.mulf %add3A_152, %add3A_152 : vector<16xf32>
        %add3A_155 = arith.addf %add3A_143, %mul3A_154 : vector<16xf32>
        %get3A_156 = arith.index_cast %scan3A_71 : i32 to index
        %get3A_157 = arith.constant 112 : index
        %get3A_158 = tpu.vector_load %arg9[%get3A_156, %get3A_157] {strides = array<i32>} : memref<128x128xf32, #tpu.memory_space<vmem>>, vector<1x16xf32>,
        %get3A_159 = vector.shape_cast %get3A_158 : vector<1x16xf32> to vector<16xf32>
        %get3A_160 = arith.index_cast %rem3A_73 : i32 to index
        %get3A_161 = arith.constant 112 : index
        %get3A_162 = tpu.vector_load %arg10[%get3A_160, %get3A_161] {strides = array<i32>} : memref<200x128xf32, #tpu.memory_space<vmem>>, vector<1x16xf32>,
        %get3A_163 = vector.shape_cast %get3A_162 : vector<1x16xf32> to vector<16xf32>
        %add3A_164 = arith.addf %get3A_159, %get3A_163 : vector<16xf32>
        %add3A_165 = arith.addf %add3A_153, %add3A_164 : vector<16xf32>
        %mul3A_166 = arith.mulf %add3A_164, %add3A_164 : vector<16xf32>
        %add3A_167 = arith.addf %add3A_155, %mul3A_166 : vector<16xf32>
        %iota3A = tpu.iota {dimensions = array<i32: 0>} : vector<16xi32>
        %xor3A = arith.constant 1 : i32
        %xor3A_168 = vector.broadcast %xor3A : i32 to vector<16xi32>
        %xor3A_169 = arith.xori %iota3A, %xor3A_168 : vector<16xi32>
        %broadcast_in_dim3A = vector.shape_cast %xor3A_169 : vector<16xi32> to vector<16x1xi32>
        %gather3A = vector.shape_cast %broadcast_in_dim3A : vector<16x1xi32> to vector<16xi32>
        %gather3A_170 = tpu.dynamic_gather %add3A_165[%gather3A] in [0] : vector<16xf32>, vector<16xi32> -> vector<16xf32>
        %add3A_171 = arith.addf %add3A_165, %gather3A_170 : vector<16xf32>
        %iota3A_172 = tpu.iota {dimensions = array<i32: 0>} : vector<16xi32>
        %xor3A_173 = arith.constant 2 : i32
        %xor3A_174 = vector.broadcast %xor3A_173 : i32 to vector<16xi32>
        %xor3A_175 = arith.xori %iota3A_172, %xor3A_174 : vector<16xi32>
        %broadcast_in_dim3A_176 = vector.shape_cast %xor3A_175 : vector<16xi32> to vector<16x1xi32>
        %gather3A_177 = vector.shape_cast %broadcast_in_dim3A_176 : vector<16x1xi32> to vector<16xi32>
        %gather3A_178 = tpu.dynamic_gather %add3A_171[%gather3A_177] in [0] : vector<16xf32>, vector<16xi32> -> vector<16xf32>
        %add3A_179 = arith.addf %add3A_171, %gather3A_178 : vector<16xf32>
        %iota3A_180 = tpu.iota {dimensions = array<i32: 0>} : vector<16xi32>
        %xor3A_181 = arith.constant 4 : i32
        %xor3A_182 = vector.broadcast %xor3A_181 : i32 to vector<16xi32>
        %xor3A_183 = arith.xori %iota3A_180, %xor3A_182 : vector<16xi32>
        %broadcast_in_dim3A_184 = vector.shape_cast %xor3A_183 : vector<16xi32> to vector<16x1xi32>
        %gather3A_185 = vector.shape_cast %broadcast_in_dim3A_184 : vector<16x1xi32> to vector<16xi32>
        %gather3A_186 = tpu.dynamic_gather %add3A_179[%gather3A_185] in [0] : vector<16xf32>, vector<16xi32> -> vector<16xf32>
        %add3A_187 = arith.addf %add3A_179, %gather3A_186 : vector<16xf32>
        %iota3A_188 = tpu.iota {dimensions = array<i32: 0>} : vector<16xi32>
        %xor3A_189 = arith.constant 8 : i32
        %xor3A_190 = vector.broadcast %xor3A_189 : i32 to vector<16xi32>
        %xor3A_191 = arith.xori %iota3A_188, %xor3A_190 : vector<16xi32>
        %broadcast_in_dim3A_192 = vector.shape_cast %xor3A_191 : vector<16xi32> to vector<16x1xi32>
        %gather3A_193 = vector.shape_cast %broadcast_in_dim3A_192 : vector<16x1xi32> to vector<16xi32>
        %gather3A_194 = tpu.dynamic_gather %add3A_187[%gather3A_193] in [0] : vector<16xf32>, vector<16xi32> -> vector<16xf32>
        %add3A_195 = arith.addf %add3A_187, %gather3A_194 : vector<16xf32>
        %mul3A_196 = arith.constant 7.812500e-03 : f32
        %mul3A_197 = vector.broadcast %mul3A_196 : f32 to vector<16xf32>
        %mul3A_198 = arith.mulf %add3A_195, %mul3A_197 : vector<16xf32>
        %iota3A_199 = tpu.iota {dimensions = array<i32: 0>} : vector<16xi32>
        %xor3A_200 = arith.constant 1 : i32
        %xor3A_201 = vector.broadcast %xor3A_200 : i32 to vector<16xi32>
        %xor3A_202 = arith.xori %iota3A_199, %xor3A_201 : vector<16xi32>
        %broadcast_in_dim3A_203 = vector.shape_cast %xor3A_202 : vector<16xi32> to vector<16x1xi32>
        %gather3A_204 = vector.shape_cast %broadcast_in_dim3A_203 : vector<16x1xi32> to vector<16xi32>
        %gather3A_205 = tpu.dynamic_gather %add3A_167[%gather3A_204] in [0] : vector<16xf32>, vector<16xi32> -> vector<16xf32>
        %add3A_206 = arith.addf %add3A_167, %gather3A_205 : vector<16xf32>
        %iota3A_207 = tpu.iota {dimensions = array<i32: 0>} : vector<16xi32>
        %xor3A_208 = arith.constant 2 : i32
        %xor3A_209 = vector.broadcast %xor3A_208 : i32 to vector<16xi32>
        %xor3A_210 = arith.xori %iota3A_207, %xor3A_209 : vector<16xi32>
        %broadcast_in_dim3A_211 = vector.shape_cast %xor3A_210 : vector<16xi32> to vector<16x1xi32>
        %gather3A_212 = vector.shape_cast %broadcast_in_dim3A_211 : vector<16x1xi32> to vector<16xi32>
        %gather3A_213 = tpu.dynamic_gather %add3A_206[%gather3A_212] in [0] : vector<16xf32>, vector<16xi32> -> vector<16xf32>
        %add3A_214 = arith.addf %add3A_206, %gather3A_213 : vector<16xf32>
        %iota3A_215 = tpu.iota {dimensions = array<i32: 0>} : vector<16xi32>
        %xor3A_216 = arith.constant 4 : i32
        %xor3A_217 = vector.broadcast %xor3A_216 : i32 to vector<16xi32>
        %xor3A_218 = arith.xori %iota3A_215, %xor3A_217 : vector<16xi32>
        %broadcast_in_dim3A_219 = vector.shape_cast %xor3A_218 : vector<16xi32> to vector<16x1xi32>
        %gather3A_220 = vector.shape_cast %broadcast_in_dim3A_219 : vector<16x1xi32> to vector<16xi32>
        %gather3A_221 = tpu.dynamic_gather %add3A_214[%gather3A_220] in [0] : vector<16xf32>, vector<16xi32> -> vector<16xf32>
        %add3A_222 = arith.addf %add3A_214, %gather3A_221 : vector<16xf32>
        %iota3A_223 = tpu.iota {dimensions = array<i32: 0>} : vector<16xi32>
        %xor3A_224 = arith.constant 8 : i32
        %xor3A_225 = vector.broadcast %xor3A_224 : i32 to vector<16xi32>
        %xor3A_226 = arith.xori %iota3A_223, %xor3A_225 : vector<16xi32>
        %broadcast_in_dim3A_227 = vector.shape_cast %xor3A_226 : vector<16xi32> to vector<16x1xi32>
        %gather3A_228 = vector.shape_cast %broadcast_in_dim3A_227 : vector<16x1xi32> to vector<16xi32>
        %gather3A_229 = tpu.dynamic_gather %add3A_222[%gather3A_228] in [0] : vector<16xf32>, vector<16xi32> -> vector<16xf32>
        %add3A_230 = arith.addf %add3A_222, %gather3A_229 : vector<16xf32>
        %mul3A_231 = arith.constant 7.812500e-03 : f32
        %mul3A_232 = vector.broadcast %mul3A_231 : f32 to vector<16xf32>
        %mul3A_233 = arith.mulf %add3A_230, %mul3A_232 : vector<16xf32>
        %mul3A_234 = arith.mulf %mul3A_198, %mul3A_198 : vector<16xf32>
        %sub3A = arith.subf %mul3A_233, %mul3A_234 : vector<16xf32>
        %add3A_235 = arith.constant 9.99999996E-13 : f32
        %add3A_236 = vector.broadcast %add3A_235 : f32 to vector<16xf32>
        %add3A_237 = arith.addf %sub3A, %add3A_236 : vector<16xf32>
        %bitcast_convert_type3A = tpu.bitcast %add3A_237 : vector<16xf32> -> vector<16xi32>
        %shift_right_arithmetic3A = arith.constant 1 : i32
        %shift_right_arithmetic3A_238 = vector.broadcast %shift_right_arithmetic3A : i32 to vector<16xi32>
        %shift_right_arithmetic3A_239 = arith.shrsi %bitcast_convert_type3A, %shift_right_arithmetic3A_238 : vector<16xi32>
        %sub3A_240 = arith.constant 1597463007 : i32
        %sub3A_241 = vector.broadcast %sub3A_240 : i32 to vector<16xi32>
        %sub3A_242 = arith.subi %sub3A_241, %shift_right_arithmetic3A_239 : vector<16xi32>
        %bitcast_convert_type3A_243 = tpu.bitcast %sub3A_242 : vector<16xi32> -> vector<16xf32>
        %mul3A_244 = arith.constant 5.000000e-01 : f32
        %mul3A_245 = vector.broadcast %mul3A_244 : f32 to vector<16xf32>
        %mul3A_246 = arith.mulf %mul3A_245, %add3A_237 : vector<16xf32>
        %mul3A_247 = arith.mulf %mul3A_246, %bitcast_convert_type3A_243 : vector<16xf32>
        %mul3A_248 = arith.mulf %mul3A_247, %bitcast_convert_type3A_243 : vector<16xf32>
        %sub3A_249 = arith.constant 1.500000e+00 : f32
        %sub3A_250 = vector.broadcast %sub3A_249 : f32 to vector<16xf32>
        %sub3A_251 = arith.subf %sub3A_250, %mul3A_248 : vector<16xf32>
        %mul3A_252 = arith.mulf %bitcast_convert_type3A_243, %sub3A_251 : vector<16xf32>
        %mul3A_253 = arith.constant 5.000000e-01 : f32
        %mul3A_254 = vector.broadcast %mul3A_253 : f32 to vector<16xf32>
        %mul3A_255 = arith.mulf %mul3A_254, %add3A_237 : vector<16xf32>
        %mul3A_256 = arith.mulf %mul3A_255, %mul3A_252 : vector<16xf32>
        %mul3A_257 = arith.mulf %mul3A_256, %mul3A_252 : vector<16xf32>
        %sub3A_258 = arith.constant 1.500000e+00 : f32
        %sub3A_259 = vector.broadcast %sub3A_258 : f32 to vector<16xf32>
        %sub3A_260 = arith.subf %sub3A_259, %mul3A_257 : vector<16xf32>
        %mul3A_261 = arith.mulf %mul3A_252, %sub3A_260 : vector<16xf32>
        %mul3A_262 = arith.constant 5.000000e-01 : f32
        %mul3A_263 = vector.broadcast %mul3A_262 : f32 to vector<16xf32>
        %mul3A_264 = arith.mulf %mul3A_263, %add3A_237 : vector<16xf32>
        %mul3A_265 = arith.mulf %mul3A_264, %mul3A_261 : vector<16xf32>
        %mul3A_266 = arith.mulf %mul3A_265, %mul3A_261 : vector<16xf32>
        %sub3A_267 = arith.constant 1.500000e+00 : f32
        %sub3A_268 = vector.broadcast %sub3A_267 : f32 to vector<16xf32>
        %sub3A_269 = arith.subf %sub3A_268, %mul3A_266 : vector<16xf32>
        %mul3A_270 = arith.mulf %mul3A_261, %sub3A_269 : vector<16xf32>
        %sub3A_271 = arith.subf %add3A_82, %mul3A_198 : vector<16xf32>
        %mul3A_272 = arith.mulf %sub3A_271, %mul3A_270 : vector<16xf32>
        %mul3A_273 = arith.mulf %mul3A_272, %get3A_2 : vector<16xf32>
        %add3A_274 = arith.addf %mul3A_273, %get3A_26 : vector<16xf32>
        %swap3A = arith.index_cast %scan3A_71 : i32 to index
        %swap3A_275 = arith.constant 0 : index
        %swap3A_276 = tpu.vector_load %arg9[%swap3A, %swap3A_275] {strides = array<i32>} : memref<128x128xf32, #tpu.memory_space<vmem>>, vector<1x16xf32>,
        %swap3A_277 = vector.shape_cast %swap3A_276 : vector<1x16xf32> to vector<16xf32>
        %swap3A_278 = vector.shape_cast %add3A_274 : vector<16xf32> to vector<1x16xf32>
        tpu.vector_store %arg9[%swap3A, %swap3A_275], %swap3A_278 {strides = array<i32>} : memref<128x128xf32, #tpu.memory_space<vmem>>, vector<1x16xf32>,
        %sub3A_279 = arith.subf %add3A_92, %mul3A_198 : vector<16xf32>
        %mul3A_280 = arith.mulf %sub3A_279, %mul3A_270 : vector<16xf32>
        %mul3A_281 = arith.mulf %mul3A_280, %get3A_5 : vector<16xf32>
        %add3A_282 = arith.addf %mul3A_281, %get3A_29 : vector<16xf32>
        %swap3A_283 = arith.index_cast %scan3A_71 : i32 to index
        %swap3A_284 = arith.constant 16 : index
        %swap3A_285 = tpu.vector_load %arg9[%swap3A_283, %swap3A_284] {strides = array<i32>} : memref<128x128xf32, #tpu.memory_space<vmem>>, vector<1x16xf32>,
        %swap3A_286 = vector.shape_cast %swap3A_285 : vector<1x16xf32> to vector<16xf32>
        %swap3A_287 = vector.shape_cast %add3A_282 : vector<16xf32> to vector<1x16xf32>
        tpu.vector_store %arg9[%swap3A_283, %swap3A_284], %swap3A_287 {strides = array<i32>} : memref<128x128xf32, #tpu.memory_space<vmem>>, vector<1x16xf32>,
        %sub3A_288 = arith.subf %add3A_104, %mul3A_198 : vector<16xf32>
        %mul3A_289 = arith.mulf %sub3A_288, %mul3A_270 : vector<16xf32>
        %mul3A_290 = arith.mulf %mul3A_289, %get3A_8 : vector<16xf32>
        %add3A_291 = arith.addf %mul3A_290, %get3A_32 : vector<16xf32>
        %swap3A_292 = arith.index_cast %scan3A_71 : i32 to index
        %swap3A_293 = arith.constant 32 : index
        %swap3A_294 = tpu.vector_load %arg9[%swap3A_292, %swap3A_293] {strides = array<i32>} : memref<128x128xf32, #tpu.memory_space<vmem>>, vector<1x16xf32>,
        %swap3A_295 = vector.shape_cast %swap3A_294 : vector<1x16xf32> to vector<16xf32>
        %swap3A_296 = vector.shape_cast %add3A_291 : vector<16xf32> to vector<1x16xf32>
        tpu.vector_store %arg9[%swap3A_292, %swap3A_293], %swap3A_296 {strides = array<i32>} : memref<128x128xf32, #tpu.memory_space<vmem>>, vector<1x16xf32>,
        %sub3A_297 = arith.subf %add3A_116, %mul3A_198 : vector<16xf32>
        %mul3A_298 = arith.mulf %sub3A_297, %mul3A_270 : vector<16xf32>
        %mul3A_299 = arith.mulf %mul3A_298, %get3A_11 : vector<16xf32>
        %add3A_300 = arith.addf %mul3A_299, %get3A_35 : vector<16xf32>
        %swap3A_301 = arith.index_cast %scan3A_71 : i32 to index
        %swap3A_302 = arith.constant 48 : index
        %swap3A_303 = tpu.vector_load %arg9[%swap3A_301, %swap3A_302] {strides = array<i32>} : memref<128x128xf32, #tpu.memory_space<vmem>>, vector<1x16xf32>,
        %swap3A_304 = vector.shape_cast %swap3A_303 : vector<1x16xf32> to vector<16xf32>
        %swap3A_305 = vector.shape_cast %add3A_300 : vector<16xf32> to vector<1x16xf32>
        tpu.vector_store %arg9[%swap3A_301, %swap3A_302], %swap3A_305 {strides = array<i32>} : memref<128x128xf32, #tpu.memory_space<vmem>>, vector<1x16xf32>,
        %sub3A_306 = arith.subf %add3A_128, %mul3A_198 : vector<16xf32>
        %mul3A_307 = arith.mulf %sub3A_306, %mul3A_270 : vector<16xf32>
        %mul3A_308 = arith.mulf %mul3A_307, %get3A_14 : vector<16xf32>
        %add3A_309 = arith.addf %mul3A_308, %get3A_38 : vector<16xf32>
        %swap3A_310 = arith.index_cast %scan3A_71 : i32 to index
        %swap3A_311 = arith.constant 64 : index
        %swap3A_312 = tpu.vector_load %arg9[%swap3A_310, %swap3A_311] {strides = array<i32>} : memref<128x128xf32, #tpu.memory_space<vmem>>, vector<1x16xf32>,
        %swap3A_313 = vector.shape_cast %swap3A_312 : vector<1x16xf32> to vector<16xf32>
        %swap3A_314 = vector.shape_cast %add3A_309 : vector<16xf32> to vector<1x16xf32>
        tpu.vector_store %arg9[%swap3A_310, %swap3A_311], %swap3A_314 {strides = array<i32>} : memref<128x128xf32, #tpu.memory_space<vmem>>, vector<1x16xf32>,
        %sub3A_315 = arith.subf %add3A_140, %mul3A_198 : vector<16xf32>
        %mul3A_316 = arith.mulf %sub3A_315, %mul3A_270 : vector<16xf32>
        %mul3A_317 = arith.mulf %mul3A_316, %get3A_17 : vector<16xf32>
        %add3A_318 = arith.addf %mul3A_317, %get3A_41 : vector<16xf32>
        %swap3A_319 = arith.index_cast %scan3A_71 : i32 to index
        %swap3A_320 = arith.constant 80 : index
        %swap3A_321 = tpu.vector_load %arg9[%swap3A_319, %swap3A_320] {strides = array<i32>} : memref<128x128xf32, #tpu.memory_space<vmem>>, vector<1x16xf32>,
        %swap3A_322 = vector.shape_cast %swap3A_321 : vector<1x16xf32> to vector<16xf32>
        %swap3A_323 = vector.shape_cast %add3A_318 : vector<16xf32> to vector<1x16xf32>
        tpu.vector_store %arg9[%swap3A_319, %swap3A_320], %swap3A_323 {strides = array<i32>} : memref<128x128xf32, #tpu.memory_space<vmem>>, vector<1x16xf32>,
        %sub3A_324 = arith.subf %add3A_152, %mul3A_198 : vector<16xf32>
        %mul3A_325 = arith.mulf %sub3A_324, %mul3A_270 : vector<16xf32>
        %mul3A_326 = arith.mulf %mul3A_325, %get3A_20 : vector<16xf32>
        %add3A_327 = arith.addf %mul3A_326, %get3A_44 : vector<16xf32>
        %swap3A_328 = arith.index_cast %scan3A_71 : i32 to index
        %swap3A_329 = arith.constant 96 : index
        %swap3A_330 = tpu.vector_load %arg9[%swap3A_328, %swap3A_329] {strides = array<i32>} : memref<128x128xf32, #tpu.memory_space<vmem>>, vector<1x16xf32>,
        %swap3A_331 = vector.shape_cast %swap3A_330 : vector<1x16xf32> to vector<16xf32>
        %swap3A_332 = vector.shape_cast %add3A_327 : vector<16xf32> to vector<1x16xf32>
        tpu.vector_store %arg9[%swap3A_328, %swap3A_329], %swap3A_332 {strides = array<i32>} : memref<128x128xf32, #tpu.memory_space<vmem>>, vector<1x16xf32>,
        %sub3A_333 = arith.subf %add3A_164, %mul3A_198 : vector<16xf32>
        %mul3A_334 = arith.mulf %sub3A_333, %mul3A_270 : vector<16xf32>
        %mul3A_335 = arith.mulf %mul3A_334, %get3A_23 : vector<16xf32>
        %add3A_336 = arith.addf %mul3A_335, %get3A_47 : vector<16xf32>
        %swap3A_337 = arith.index_cast %scan3A_71 : i32 to index
        %swap3A_338 = arith.constant 112 : index
        %swap3A_339 = tpu.vector_load %arg9[%swap3A_337, %swap3A_338] {strides = array<i32>} : memref<128x128xf32, #tpu.memory_space<vmem>>, vector<1x16xf32>,
        %swap3A_340 = vector.shape_cast %swap3A_339 : vector<1x16xf32> to vector<16xf32>
        %swap3A_341 = vector.shape_cast %add3A_336 : vector<16xf32> to vector<1x16xf32>
        tpu.vector_store %arg9[%swap3A_337, %swap3A_338], %swap3A_341 {strides = array<i32>} : memref<128x128xf32, #tpu.memory_space<vmem>>, vector<1x16xf32>,
      }
      %scan3A_69 = arith.constant 128 : i32
      "tpu.region"() ({
        %run_scoped3A = tpu.sem_alloc : memref<!tpu.dma_semaphore, #tpu.memory_space<semaphore_mem>>
        %dma_start3A_71 = arith.constant 0 : i32
        %dma_start3A_72 = tpu.memref_slice %arg7[%add3A_60, %dma_start3A_71] : memref<204800x128xf32, #tpu.memory_space<hbm>> -> memref<128x128xf32, #tpu.memory_space<hbm>>
        %dma_start3A_73 = arith.constant 0 : i32
        %dma_start3A_74 = tpu.memref_slice %arg7[%add3A_60, %dma_start3A_73] : memref<204800x128xf32, #tpu.memory_space<hbm>> -> memref<128x128xf32, #tpu.memory_space<hbm>>
        tpu.enqueue_dma source(%arg9 : memref<128x128xf32, #tpu.memory_space<vmem>>) target(%dma_start3A_74 : memref<128x128xf32, #tpu.memory_space<hbm>>) target_semaphore(%run_scoped3A : memref<!tpu.dma_semaphore, #tpu.memory_space<semaphore_mem>>)
        %dma_wait3A_75 = arith.constant 0 : i32
        %dma_wait3A_76 = tpu.memref_slice %arg7[%add3A_60, %dma_wait3A_75] : memref<204800x128xf32, #tpu.memory_space<hbm>> -> memref<128x128xf32, #tpu.memory_space<hbm>>
        %dma_wait3A_77 = arith.constant 0 : i32
        %dma_wait3A_78 = tpu.memref_slice %arg7[%add3A_60, %dma_wait3A_77] : memref<204800x128xf32, #tpu.memory_space<hbm>> -> memref<128x128xf32, #tpu.memory_space<hbm>>
        tpu.wait_dma2 semaphore(%run_scoped3A : memref<!tpu.dma_semaphore, #tpu.memory_space<semaphore_mem>>) src(%arg9 : memref<128x128xf32, #tpu.memory_space<vmem>>) dst(%dma_wait3A_78 : memref<128x128xf32, #tpu.memory_space<hbm>>)
        tpu.yield
      }) : () -> ()
      %scan3A_70 = arith.constant 0 : i32
      scf.yield %scan3A_70 : i32
    }
    %scan3A_53 = arith.constant 50 : i32
    return
  }
}

</mosaic_0001>

<sc_bundles>
// kernel: kernel.3.cloned.1.call-start
scs
__scs_entry_jumppad:
0x0: {  	(pc) =	sbr.rel $0x88, $3  }
0x1: {  	(tag) =	ssettag $0x0;
	lr =	simm.s32 $0x1  }
0x2: {  	[smem:$0x3F9C] =	sst lr;
	_ =	strace $0xD0000000  }
0x3: {  	_ = 	snop  }
0x4: {  	_ = 	snop  }
0x5: {  	_ = 	snop  }
0x6: {  	_ = 	snop  }
0x7: {  	_ = 	snop  }
__scs_overlays_trampoline_lowered:
0x8: {  	[smem:$0x3FAB] =	sst s0  }
0x9: {  	[smem:$0x3FAC] =	sst s1  }
0xa: {  	[smem:$0x3FAD] =	sst s2  }
0xb: {  	[smem:$0x3FAE] =	sst s3  }
0xc: {  	[smem:$0x3FAF] =	sst s4  }
0xd: {  	[smem:$0x3FB0] =	sst s5  }
0xe: {  	[smem:$0x3FB1] =	sst s6  }
0xf: {  	[smem:$0x3FB2] =	sst s7  }
0x10: {  	[smem:$0x3FB3] =	sst s8  }
0x11: {  	[smem:$0x3FB4] =	sst s9;
	s0 =	simm.s32 @!p0 $0x0  }
0x12: {  	s1 =	sld [smem:$0x3F9A];
	s0 =	simm.s32 @p0 $0x1  }
0x13: {  	[smem:$0x3FB5] =	sst s0;
	s0 =	simm.s32 @!p1 $0x0  }
0x14: {  	s2 =	sld [smem:$0x3F99];
	s0 =	simm.s32 @p1 $0x1  }
0x15: {  	[smem:$0x3FB6] =	sst s0;
	s0 =	simm.s32 @!p2 $0x0  }
0x16: {  	s3 =	sld [smem:$0x3FDB];
	s0 =	simm.s32 @p2 $0x1  }
0x17: {  	s4 =	simm.s32 $0x1BF5;
	[smem:$0x3FB8] =	sst s0  }
0x18: {  	s0 =	sld [smem:$0x3F9B];
	_ =	swait.ge [sflag:s4], $0x0  }
0x19: {  	s7 =	sld [smem:$0x3F9C]  }
0x1a: {  	s8 =	sadd.s32 $0xFFFFE003, lr  }
0x1b: {  	s9 =	sadd.s32 $0xFFFFFEF7, lr;
	s5 =	simm.s32 $0xFFFFFFFF;
	p2 =	slt.u32 s8, $0xFFFFF086  }
0x1c: {  	p1 =	slt.u32 s9, $0xF7A;
	s5 =	simm.s32 @!p2 $0x0  }
0x1d: {  	s5 =	simm.s32 @p1 $0x1;
	p0 =	seq.s32 s7, s2  }
0x1e: {  	s7 =	smul.u32 @!p0 $0xF7A, s2;
	p2 =	seq.s32 @!p0 s5, $0x0  }
0x1f: {  	s9 =	smul.u32 $0xF7A, s1;
	s8 =	simm.s32 @!p0 $0x1BF5;
	p2 =	por !p2, p0  }
0x20: {  	[sflag:s8] =	ssyncset.s32 @!p0 $0xFFFFF086;
	s6 =	sadd.s32 @!p0 s3, s7;
	s7 =	simm.s32 @!p0 $0x108  }
0x21: {  	s3 =	sadd.s32 s3, s9;
	s6 =	sadd.s32 @!p0 $0x88, s6;
	s7 =	simm.s32 @p2 $0x1082  }
0x22: {  	[simem:s7], [sflag:s8] =	dma.local @!p0 [hbm:s6], $0xF7A  }
0x23: {  	s9 =	sor.u32 $0xD0000000, s2;
	s6 =	simm.s32 $0x108;
	_ =	swait.ge @!p0 [sflag:s8], $0x0  }
0x24: {  	s3 =	sadd.s32 $0x88, s3;
	s6 =	simm.s32 @!p1 $0x1082;
	[sflag:s4] =	ssyncset.s32 $0xFFFFF086  }
0x25: {  	[simem:s6], [sflag:s4] =	dma.local [hbm:s3], $0xF7A  }
0x26: {  	[smem:$0x3F9C] =	sst s1;
	(tag) =	ssettag s2;
	_ =	strace s9  }
0x27: {  	s1 =	sld [smem:$0x3FAC]  }
0x28: {  	s2 =	sld [smem:$0x3FAD]  }
0x29: {  	s4 =	sld [smem:$0x3FAF]  }
0x2a: {  	p0 =	seq.s32 s5, $0x0;
	s5 =	sld [smem:$0x3FB0]  }
0x2b: {  	s6 =	sld [smem:$0x3FB1]  }
0x2c: {  	s7 =	sld [smem:$0x3FB2]  }
0x2d: {  	s3 =	simm.s32 $0x108;
	s8 =	sld [smem:$0x3FB3]  }
0x2e: {  	s3 =	simm.s32 @!p0 $0x1082;
	s9 =	sld [smem:$0x3FB4]  }
0x2f: {  	lr =	sadd.s32 s0, s3;
	s0 =	sld [smem:$0x3FAB]  }
0x30: {  	s3 =	sld [smem:$0x3FAE]  }
0x31: {  	[smem:$0x3FB7] =	sst s10  }
0x32: {  	s10 =	sld [smem:$0x3FB5];
	_ =	sdelay $0x3  }
0x33: {  	p0 =	seq.s32 s10, $0x1;
	s10 =	sld [smem:$0x3FB7];
	_ =	sdelay $0x3  }
0x34: {  	[smem:$0x3FB7] =	sst s10  }
0x35: {  	s10 =	sld [smem:$0x3FB6];
	_ =	sdelay $0x3  }
0x36: {  	p1 =	seq.s32 s10, $0x1;
	s10 =	sld [smem:$0x3FB7];
	_ =	sdelay $0x3  }
0x37: {  	[smem:$0x3FB7] =	sst s10  }
0x38: {  	s10 =	sld [smem:$0x3FB8]  }
0x39: {  	_ = 	snop;
	(pc) =	sbr.ind lr, $3  }
0x3a: {  	_ = 	snop  }
0x3b: {  	_ = 	snop  }
0x3c: {  	p2 =	seq.s32 s10, $0x1;
	s10 =	sld [smem:$0x3FB7]  }
0x3d: {  	_ =	shalt  }
0x3e: {  	_ =	shalt  }
0x3f: {  	_ =	shalt  }
0x40: {  	_ =	shalt  }
0x41: {  	_ =	shalt  }
0x42: {  	_ =	shalt  }
0x43: {  	_ =	shalt  }
0x44: {  	_ =	shalt  }
0x45: {  	_ =	shalt  }
0x46: {  	_ =	shalt  }
0x47: {  	_ =	shalt  }
0x48: {  	_ =	shalt  }
0x49: {  	_ =	shalt  }
0x4a: {  	_ =	shalt  }
0x4b: {  	_ =	shalt  }
0x4c: {  	_ =	shalt  }
0x4d: {  	_ =	shalt  }
0x4e: {  	_ =	shalt  }
0x4f: {  	_ =	shalt  }
0x50: {  	_ =	shalt  }
0x51: {  	_ =	shalt  }
0x52: {  	_ =	shalt  }
0x53: {  	_ =	shalt  }
0x54: {  	_ =	shalt  }
0x55: {  	_ =	shalt  }
0x56: {  	_ =	shalt  }
0x57: {  	_ =	shalt  }
0x58: {  	_ =	shalt  }
0x59: {  	_ =	shalt  }
0x5a: {  	_ =	shalt  }
0x5b: {  	_ =	shalt  }
0x5c: {  	_ =	shalt  }
0x5d: {  	_ =	shalt  }
0x5e: {  	_ =	shalt  }
0x5f: {  	_ =	shalt  }
0x60: {  	_ =	shalt  }
0x61: {  	_ =	shalt  }
0x62: {  	_ =	shalt  }
0x63: {  	_ =	shalt  }
0x64: {  	_ =	shalt  }
0x65: {  	_ =	shalt  }
0x66: {  	_ =	shalt  }
0x67: {  	_ =	shalt  }
0x68: {  	_ =	shalt  }
0x69: {  	_ =	shalt  }
0x6a: {  	_ =	shalt  }
0x6b: {  	_ =	shalt  }
0x6c: {  	_ =	shalt  }
0x6d: {  	_ =	shalt  }
0x6e: {  	_ =	shalt  }
0x6f: {  	_ =	shalt  }
0x70: {  	_ =	shalt  }
0x71: {  	_ =	shalt  }
0x72: {  	_ =	shalt  }
0x73: {  	_ =	shalt  }
0x74: {  	_ =	shalt  }
0x75: {  	_ =	shalt  }
0x76: {  	_ =	shalt  }
0x77: {  	_ =	shalt  }
0x78: {  	_ =	shalt  }
0x79: {  	_ =	shalt  }
0x7a: {  	_ =	shalt  }
0x7b: {  	_ =	shalt  }
0x7c: {  	_ =	shalt  }
0x7d: {  	_ =	shalt  }
0x7e: {  	_ =	shalt  }
0x7f: {  	_ =	shalt  }
0x80: {  	_ =	shalt  }
0x81: {  	_ =	shalt  }
0x82: {  	_ =	shalt  }
0x83: {  	_ =	shalt  }
0x84: {  	_ =	shalt  }
0x85: {  	_ =	shalt  }
0x86: {  	_ =	shalt  }
0x87: {  	_ =	shalt  }
.Lfunc_end0:
.L_simem_size_0:
called_computation_lowered:
.L_overlay_start_0:
0x88: {  	s2 =	sld [smem:$0x3FD9]  }
0x89: {  	s3 =	sld [smem:$0x3FFE];
	_ =	sdelay $0x1  }
0x8a: {  	s1 =	srdreg.scid  }
0x8b: {  	s0 =	sand.u32 $0x1, s1  }
0x8c: {  	s17 =	sshll.u32 s0, $0xA;
	s2 =	sadd.s32 s3, s2  }
0x8d: {  	s2 =	sadd.s32 s2, s17  }
0x8e: {  	[smem:$0x3FC3] =	sst s2  }
0x8f: {  	_ = 	snop  }
0x90: {  	s2 =	sld [smem:$0x3FC8]  }
0x91: {  	s18 =	sld [smem:$0x3FC7]  }
0x92: {  	s4 =	sld [smem:$0x3FC6]  }
0x93: {  	s5 =	sld [smem:$0x3FC5]  }
0x94: {  	s6 =	sld [smem:$0x3FD0];
	(tm) =	ssettm $0x1  }
0x95: {  	s7 =	sld [smem:$0x3FFB];
	_ =	sdelay $0x3  }
0x96: {  	_ =	strace s7  }
0x97: {  	s7 =	sld [smem:$0x3FFC];
	_ =	sdelay $0x3  }
0x98: {  	_ =	strace s7  }
0x99: {  	s7 =	sld [smem:$0x3FFD];
	_ =	sdelay $0x3  }
0x9a: {  	_ =	strace s7  }
0x9b: {  	_ =	strace $0x8FFFFFFF  }
0x9c: {  	s19 =	sld [smem:$0x3FDB];
	_ =	sdelay $0x1  }
0x9d: {  	s8 =	simm.s32 $_scs_section_size  }
0x9e: {  	s9 =	simm.s32 $_size__tile_overlayer_lowered;
	s10 =	simm.s32 $_tile_overlayer_lowered  }
0x9f: {  	s22 =	simm.s32 $0x1BFF;
	s21 =	sshll.u32 s10, $0x1;
	s7 =	sadd.s32 s8, s19  }
0xa0: {  	s11 =	simm.s32 $0x0;
	s20 =	sshll.u32 s9, $0x1;
	s9 =	sadd.s32 s21, s7  }
0xa1: {  	[timem:s11], [sflag:s22] =	dma.local [hbm:s9], s20  }
0xa2: {  	_ =	swait.ge [sflag:s22], s20  }
0xa3: {  	s8 =	ssub.s32 $0x0, s20;
	[sflag:s22] =	ssyncset.done $0x0  }
0xa4: {  	[sflag:s22] =	ssyncadd.s32 s8;
	_ =	sdelay $0x1  }
0xa5: {  	s23 =	simm.s32 $0x1B8B  }
0xa6: {  	_ =	swait.ge [sflag:s23], $0x1  }
0xa7: {  	[sflag:s23] =	ssyncset.done $0x0  }
0xa8: {  	s25 =	simm.s32 $0x1B8E;
	s24 =	sld [smem:$0x3FFE];
	[sflag:s23] =	ssyncadd.s32 $0xFFFFFFFF  }
0xa9: {  	s26 =	simm.s32 $execute0_lowered;
	[smem:$0x3FD2] =	sst s25  }
0xaa: {  	s9 =	sshll.u32 s26, $0x1;
	_ =	strace $0x80000046;
	[dreg:$0x1] =	wrdreg $0xFFFFFFFF  }
0xab: {  	s28 =	simm.s32 $_size_execute0_lowered;
	s7 =	sadd.s32 s7, s9;
	[dreg:$0x0] =	wrdreg $0x0  }
0xac: {  	s9 =	sshll.u32 s28, $0x1;
	[dreg:$0x2] =	wrdreg s7  }
0xad: {  	[dreg:$0x3] =	wrdreg s9  }
0xae: {  	[dreg:$0x4] =	wrdreg $0xC0  }
0xaf: {  	_ =	task [dreg:s11], $0x5FFFF  }
0xb0: {  	[dreg:$0x1] =	wrdreg $0xFFFFFFFF  }
0xb1: {  	[dreg:$0x0] =	wrdreg $0x60  }
0xb2: {  	[dreg:$0x2] =	wrdreg s24  }
0xb3: {  	[dreg:$0x3] =	wrdreg s2  }
0xb4: {  	[dreg:$0x4] =	wrdreg s18  }
0xb5: {  	[dreg:$0x5] =	wrdreg s4  }
0xb6: {  	[dreg:$0x6] =	wrdreg s5  }
0xb7: {  	[dreg:$0x7] =	wrdreg s6  }
0xb8: {  	[dreg:$0x8] =	wrdreg $0x9  }
0xb9: {  	_ =	task.clear_ibuf [dreg:s11], $0x9FFFF;
	_ =	strace $0x90000046  }
0xba: {  	s29 =	simm.s32 $0x9;
	_ =	strace $0x80000048  }
0xbb: {  	_ =	swait.ge [sflag:s29], $0x1  }
0xbc: {  	[sflag:s29] =	ssyncadd.s32 $0xFFFFFFFF  }
0xbd: {  	_ =	strace $0x90000048  }
0xbe: {  	_ =	sfence  }
0xbf: {  	s30 =	sld [smem:$0x0];
	_ =	sdelay $0x2  }
0xc0: {  	s31 =	sshll.u32 s1, $0xD;
	s1 =	sshrl.u32 s1, $0x2  }
0xc1: {  	s3 =	sand.u32 $0x4000, s31;
	s1 =	sadd.s32 s1, s30  }
0xc2: {  	s0 =	sor.u32 s3, s0;
	s1 =	sshll.u32 s1, $0x11  }
0xc3: {  	s0 =	sor.u32 s1, s0  }
0xc4: {  	s0 =	sadd.s32 $0x8F2B, s0  }
0xc5: {  	[sflag:s0] =	ssyncadd.remote.s32 $0x1  }
0xc6: {  	_ =	sfence.sel $0xFFFF  }
0xc7: {  	[dreg:$0x0] =	wrdreg $0xFFFFFFFF;
	(pc) =	sbr.abs _section_cstart, $3  }
0xc8: {  	[dreg:$0x1] =	wrdreg $0xFFFFFFFF  }
0xc9: {  	_ =	task.clear_ibuf [dreg:s11], $0x2FFFF;
	_ =	strace $0x9FFFFFFF  }
0xca: {  	(tm) =	ssettm $0x7FFFFFFF  }
0xcb: {  	_ =	shalt  }
tec
execute0_lowered:
.L_overlay_start_1:
0x0: {  	(tag) =	ssettag $0x1  }
0x1: {  	s9 =	rddreg [dreg:$0x0]  }
0x2: {  	s0 =	rddreg [dreg:$0x1]  }
0x3: {  	s1 =	rddreg [dreg:$0x2]  }
0x4: {  	s2 =	rddreg [dreg:$0x3];
	v0 =	vimm.s32 $0xEFCDAB89  }
0x5: {  	s3 =	rddreg [dreg:$0x4];
	v1 =	vimm.s32 $0x67452301;
	v2 =	vimm.s32 $0xDCFE98BA;
	s5 =	srdreg.scid;
	v3 =	vimm.s32 $0x54761032  }
0x6: {  	s4 =	stileid.u32;
	s6 =	rddreg [dreg:$0x5];
	v4 =	vimm.s32 $0xBA98FEDC;
	v5 =	vimm.s32 $0x32107654;
	v6 =	vimm.s32 $0xFEDCBA98  }
0x7: {  	s7 =	simm.s32 $0x0;
	v7 =	vimm.s32 $0x76543210;
	s15 =	simm.s32 $0xA480;
	s16 =	simm.s32 $0xA500;
	v0 =	vunpack.c.l.s4.s8 v0;
	v1 =	vunpack.c.l.s4.s8 v1  }
0x8: {  	s17 =	simm.s32 $0x80;
	s18 =	simm.s32 $0x1;
	s20 =	simm.s32 $0x0;
	v2 =	vunpack.c.l.s4.s8 v2;
	v3 =	vunpack.c.l.s4.s8 v3;
	v4 =	vunpack.c.l.s4.s8 v4  }
0x9: {  	s11 =	sand.u32 $0x1, s5;
	s8 =	sshll.u32 s4, $0x1;
	s12 =	smul.u32 $0x640000, s4;
	v5 =	vunpack.c.l.s4.s8 v5;
	v6 =	vunpack.c.l.s4.s8 v6;
	v7 =	vunpack.c.l.s4.s8 v7  }
0xa: {  	[smem:$0x7FF] =	sst s7;
	s9 =	sadd.s32 $0x400, s9;
	s14 =	smul.u32 $0x3200, s4;
	v0 =	vunpack.c.0.s8.s32 v0;
	v1 =	vunpack.c.0.s8.s32 v1;
	v2 =	vunpack.c.0.s8.s32 v2  }
0xb: {  	s8 =	sor.u32 s11, s8;
	s10 =	ssub.s32 $0x2, s11;
	s31 =	smul.u32 $0x1900, s11;
	v3 =	vunpack.c.0.s8.s32 v3;
	v4 =	vunpack.c.0.s8.s32 v4;
	v5 =	vunpack.c.0.s8.s32 v5  }
0xc: {  	_ =	strace $0x80000047;
	s19 =	smul.u32 $0x320000, s11;
	s13 =	sshrl.u32 s10, $0x1;
	v0 =	vcombine.low v1, v0;
	v1 =	vunpack.c.0.s8.s32 v6  }
0xd: {  	s8 =	smul.u32 $0x1900, s8;
	s12 =	sshrl.u32 s12, $0x2;
	s10 =	ssub.s32 s10, s13;
	v2 =	vcombine.low v3, v2;
	v3 =	vcombine.low v5, v4;
	v4 =	vunpack.c.0.s8.s32 v7  }
0xe: {  	s11 =	sor.u32 $0x4080, s12;
	s12 =	sadd.s32 s31, s14;
	s13 =	simm.s32 $0x4080;
	v0 =	vand.u32 $0xF, v0;
	v5 =	vand.u32 $0xF, v1  }
0xf: {  	s14 =	simm.s32 $0x2;
	s19 =	sshrl.u32 s19, $0x2;
	s10 =	smax.u32 s10, $0x1;
	v1 =	vand.u32 $0xF, v2;
	v2 =	vand.u32 $0xF, v3;
	v3 =	vcombine.low v5, v4  }
.LBB2_1:
0x10: {  	[tilespmem:s13], [sflag:$0x2] =	stream.linear.gather [hbm4b:s1+s7], $0x6400, $0x38;
	[tilespmem:$0xA580] =	vst v63  }
0x11: {  	_ =	swait.ge [sflag:s14], $0x6400  }
0x12: {  	[sflag:s14] =	ssyncset.done $0x0  }
0x13: {  	[sflag:s14] =	ssyncadd.s32 $0xFFFF9C00  }
0x14: {  	[tilespmem:s15], [sflag:$0x2] =	stream.linear.gather [hbm4b:s2+s7], $0x80, $0x38;
	[tilespmem:$0xA580] =	vst v63  }
0x15: {  	_ =	swait.ge [sflag:s14], $0x80  }
0x16: {  	[sflag:s14] =	ssyncset.done $0x0  }
0x17: {  	[sflag:s14] =	ssyncadd.s32 $0xFFFFFF80  }
0x18: {  	[tilespmem:s16], [sflag:$0x2] =	stream.linear.gather [hbm4b:s3+s7], $0x80, $0x38;
	[tilespmem:$0xA580] =	vst v63  }
0x19: {  	_ =	swait.ge [sflag:s14], $0x80  }
0x1a: {  	[sflag:s14] =	ssyncset.done $0x0  }
0x1b: {  	[sflag:s14] =	ssyncadd.s32 $0xFFFFFF80  }
0x1c: {  	v4 =	vld [tilespmem:$0xA480]  }
0x1d: {  	v5 =	vld [tilespmem:$0xA490]  }
0x1e: {  	v6 =	vld [tilespmem:$0xA4A0]  }
0x1f: {  	v7 =	vld [tilespmem:$0xA4B0]  }
0x20: {  	v8 =	vld [tilespmem:$0xA4C0]  }
0x21: {  	v9 =	vld [tilespmem:$0xA4D0]  }
0x22: {  	v10 =	vld [tilespmem:$0xA4E0]  }
0x23: {  	v11 =	vld [tilespmem:$0xA4F0]  }
0x24: {  	v12 =	vld [tilespmem:$0xA500]  }
0x25: {  	v13 =	vld [tilespmem:$0xA510]  }
0x26: {  	v14 =	vld [tilespmem:$0xA520]  }
0x27: {  	v15 =	vld [tilespmem:$0xA530]  }
0x28: {  	v16 =	vld [tilespmem:$0xA540]  }
0x29: {  	v18 =	vld [tilespmem:$0xA560]  }
0x2a: {  	v19 =	vld [tilespmem:$0xA570]  }
0x2b: {  	s21 =	smov.u32 s12;
	s22 =	simm.s32 $0x0;
	s23 =	simm.s32 $0x0;
	v17 =	vld [tilespmem:$0xA550]  }
.LBB2_2:
0x2c: {  	s24 =	sshll.u32 s23, $0x7  }
0x2d: {  	s24 =	sadd.s32 s8, s24  }
0x2e: {  	s25 =	sshrl.u32 s24, $0x3  }
0x2f: {  	s26 =	simm.s32 $0x0;
	s5 =	smulhi.u32 $0x51EB851F, s21;
	s25 =	sadd.s32 s9, s25  }
0x30: {  	[tilespmem:s26], [sflag:$0x2] =	stream.linear.gather [hbm4b:s25+s26], $0x80, $0x38;
	[tilespmem:$0xA580] =	vst v63  }
0x31: {  	_ =	swait.ge [sflag:s14], $0x80  }
0x32: {  	s25 =	sshrl.u32 s5, $0x6;
	[sflag:s14] =	ssyncset.done $0x0  }
0x33: {  	s25 =	smul.u32 $0xFFFE7000, s25;
	[sflag:s14] =	ssyncadd.s32 $0xFFFFFF80  }
0x34: {  	[tilespmem:s17], [sflag:$0x1] =	stream.indirect.gather [hbm4b:s0+s17], $0x80, s26, s17, $0xb8;
	[tilespmem:$0xA580] =	vst v63  }
0x35: {  	_ =	swait.ge [sflag:s18], $0x4000  }
0x36: {  	s25 =	sshra.s32 s25, $0x2;
	[sflag:s18] =	ssyncset.done $0x0  }
0x37: {  	s28 =	sadd.s32 s25, s11;
	s25 =	simm.s32 $0x0;
	[sflag:s18] =	ssyncadd.s32 $0xFFFFC000  }
0x38: {  	s26 =	sshra.s32 s22, $0x2;
	s28 =	sadd.s32 s19, s28;
	v20 =	vld [tilespmem:s25+$0x80]  }
0x39: {  	s28 =	sadd.s32 s26, s28;
	v21 =	vld [tilespmem:s25+$0xA0]  }
0x3a: {  	s28 =	sadd.s32 $0x0, s28;
	v22 =	vld [tilespmem:s25+$0x90]  }
0x3b: {  	v23 =	vld [tilespmem:s28+$0x0]  }
0x3c: {  	v24 =	vld [tilespmem:s28+$0x10]  }
0x3d: {  	v25 =	vld [tilespmem:s28+$0x20]  }
0x3e: {  	v26 =	vld [tilespmem:s25+$0xB0]  }
0x3f: {  	v27 =	vld [tilespmem:s28+$0x30]  }
0x40: {  	v20 =	vadd.f32 v23, v20;
	v23 =	vld [tilespmem:s25+$0xC0]  }
0x41: {  	v22 =	vadd.f32 v24, v22;
	v24 =	vld [tilespmem:s28+$0x40]  }
0x42: {  	v29 =	vld [tilespmem:s28+$0x50];
	v25 =	vadd.f32 v25, v21  }
0x43: {  	v31 =	vld [tilespmem:s25+$0xD0];
	v28 =	vmul.f32 v20, v20;
	v21 =	vadd.f32 v22, v20;
	v30 =	vmul.f32 v22, v22  }
0x44: {  	v26 =	vadd.f32 v27, v26;
	v27 =	vld [tilespmem:s25+$0xE0]  }
0x45: {  	v32 =	vmul.f32 v25, v25;
	v28 =	vadd.f32 v30, v28;
	v21 =	vadd.f32 v25, v21;
	v30 =	vld [tilespmem:s28+$0x60]  }
0x46: {  	v63 =	vld [tilespmem:s28+$0x70];
	v23 =	vadd.f32 v24, v23  }
0x47: {  	v33 =	vmul.f32 v26, v26;
	v24 =	vld [tilespmem:s25+$0xF0];
	v28 =	vadd.f32 v32, v28;
	v21 =	vadd.f32 v26, v21  }
0x48: {  	v29 =	vadd.f32 v29, v31  }
0x49: {  	v31 =	vmul.f32 v23, v23;
	v28 =	vadd.f32 v33, v28;
	v21 =	vadd.f32 v23, v21  }
0x4a: {  	v27 =	vadd.f32 v30, v27  }
0x4b: {  	v30 =	vmul.f32 v29, v29;
	v28 =	vadd.f32 v31, v28;
	v21 =	vadd.f32 v29, v21  }
0x4c: {  	v24 =	vadd.f32 v63, v24  }
0x4d: {  	v31 =	vmul.f32 v27, v27;
	v28 =	vadd.f32 v30, v28;
	v21 =	vadd.f32 v27, v21;
	_ =	sdelay $0x1  }
0x4e: {  	v30 =	vmul.f32 v24, v24;
	v28 =	vadd.f32 v31, v28;
	v21 =	vadd.f32 v24, v21;
	_ =	sdelay $0x1  }
0x4f: {  	v28 =	vadd.f32 v30, v28;
	v30 =	vperm.xlane v21, v0;
	_ =	sdelay $0x1  }
0x50: {  	v21 =	vadd.f32 v21, v30;
	v30 =	vperm.xlane v28, v0;
	_ =	sdelay $0x1  }
0x51: {  	v31 =	vperm.xlane v21, v1;
	v28 =	vadd.f32 v30, v28;
	_ =	sdelay $0x1  }
0x52: {  	v21 =	vadd.f32 v21, v31;
	v30 =	vperm.xlane v28, v1;
	_ =	sdelay $0x1  }
0x53: {  	v31 =	vperm.xlane v21, v2;
	v28 =	vadd.f32 v30, v28;
	_ =	sdelay $0x1  }
0x54: {  	v21 =	vadd.f32 v21, v31;
	v30 =	vperm.xlane v28, v2;
	_ =	sdelay $0x1  }
0x55: {  	v31 =	vperm.xlane v21, v3;
	v28 =	vadd.f32 v30, v28;
	_ =	sdelay $0x1  }
0x56: {  	v21 =	vadd.f32 v21, v31;
	v30 =	vperm.xlane v28, v3;
	_ =	sdelay $0x1  }
0x57: {  	v31 =	vmul.f32 $7.812500000e-03, v21;
	v21 =	vadd.f32 v30, v28;
	_ =	sdelay $0x1  }
0x58: {  	v21 =	vmul.f32 $7.812500000e-03, v21;
	v28 =	vmul.f32 v31, v31;
	_ =	sdelay $0x1  }
0x59: {  	v21 =	vsub.f32 v21, v28;
	_ =	sdelay $0x1  }
0x5a: {  	v21 =	vadd.f32 $9.999999960e-13, v21;
	_ =	sdelay $0x1  }
0x5b: {  	v28 =	vshra.s32 v21, $0x1;
	v21 =	vmul.f32 $5.000000000e-01, v21  }
0x5c: {  	v28 =	vsub.s32 $0x5F3759DF, v28  }
0x5d: {  	v30 =	vmul.f32 v28, v21;
	_ =	sdelay $0x1  }
0x5e: {  	v30 =	vmul.f32 v28, v30;
	_ =	sdelay $0x1  }
0x5f: {  	v30 =	vsub.f32 $1.500000000e+00, v30;
	_ =	sdelay $0x1  }
0x60: {  	v28 =	vmul.f32 v28, v30;
	_ =	sdelay $0x1  }
0x61: {  	v30 =	vmul.f32 v28, v21;
	_ =	sdelay $0x1  }
0x62: {  	v30 =	vmul.f32 v30, v28;
	_ =	sdelay $0x1  }
0x63: {  	v30 =	vsub.f32 $1.500000000e+00, v30;
	_ =	sdelay $0x1  }
0x64: {  	v28 =	vmul.f32 v30, v28;
	_ =	sdelay $0x1  }
0x65: {  	v21 =	vmul.f32 v28, v21;
	_ =	sdelay $0x1  }
0x66: {  	v21 =	vmul.f32 v21, v28;
	_ =	sdelay $0x1  }
0x67: {  	v21 =	vsub.f32 $1.500000000e+00, v21;
	_ =	sdelay $0x1  }
0x68: {  	v20 =	vsub.f32 v20, v31;
	v24 =	vsub.f32 v24, v31;
	v21 =	vmul.f32 v21, v28  }
0x69: {  	v25 =	vsub.f32 v25, v31;
	v27 =	vsub.f32 v27, v31  }
0x6a: {  	v28 =	vsub.f32 v22, v31;
	v20 =	vmul.f32 v21, v20;
	v22 =	vmul.f32 v21, v24  }
0x6b: {  	v23 =	vsub.f32 v23, v31;
	v25 =	vmul.f32 v21, v25;
	v24 =	vmul.f32 v21, v27  }
0x6c: {  	v30 =	vsub.f32 v26, v31;
	v28 =	vmul.f32 v21, v28;
	v27 =	vmul.f32 v20, v4  }
0x6d: {  	s29 =	sadd.s32 $0x1, s21;
	v23 =	vmul.f32 v21, v23;
	v20 =	vsub.f32 v29, v31;
	v26 =	vmul.f32 v25, v6  }
0x6e: {  	s30 =	simm.s32 $0x400;
	s31 =	smulhi.u32 $0x51EB851F, s29;
	s28 =	simm.s32 $0x200;
	v28 =	vmul.f32 v28, v5;
	v25 =	vmul.f32 v21, v30;
	v27 =	vadd.f32 v27, v12  }
.LBB2_3:
0x6f: {  	p0 =	sne.s32 s30, $0xFE00;
	v26 =	vadd.f32 v26, v14;
	v20 =	vmul.f32 v21, v20;
	v21 =	vmul.f32 v24, v10;
	s5 =	smov.u32 s30;
	s30 =	sadd.s32 $0x200, s30  }
0x70: {  	v23 =	vmul.f32 v23, v8;
	v22 =	vmul.f32 v22, v11;
	s31 =	sshrl.u32 s31, $0x6;
	[tilespmem:s25+$0x80] =	vst v27;
	v24 =	vadd.f32 v28, v13  }
0x71: {  	v25 =	vmul.f32 v25, v7;
	s31 =	smul.u32 $0xFFFE7000, s31;
	[tilespmem:s25+$0xA0] =	vst v26;
	v21 =	vadd.f32 v21, v18  }
0x72: {  	v23 =	vadd.f32 v23, v16;
	v20 =	vmul.f32 v20, v9;
	v22 =	vadd.f32 v22, v19;
	[tilespmem:s25+$0x90] =	vst v24  }
0x73: {  	v24 =	vadd.f32 v25, v15;
	s31 =	sshra.s32 s31, $0x2;
	[tilespmem:s25+$0xE0] =	vst v21  }
0x74: {  	s4 =	sshra.s32 s28, $0x2;
	s28 =	smov.u32 s5;
	v20 =	vadd.f32 v20, v17;
	s31 =	sadd.s32 s31, s11;
	[tilespmem:s25+$0xF0] =	vst v22  }
0x75: {  	v21 =	vld [tilespmem:s4+$0x80];
	s5 =	sadd.s32 s19, s31;
	[tilespmem:s25+$0xC0] =	vst v23  }
0x76: {  	s5 =	sadd.s32 s26, s5;
	v22 =	vld [tilespmem:s4+$0xA0];
	[tilespmem:s25+$0xB0] =	vst v24  }
0x77: {  	s5 =	sadd.s32 s4, s5;
	v23 =	vld [tilespmem:s4+$0x90];
	[tilespmem:s25+$0xD0] =	vst v20;
	s25 =	smov.u32 s4  }
0x78: {  	v20 =	vld [tilespmem:s5+$0x0]  }
0x79: {  	v24 =	vld [tilespmem:s5+$0x10]  }
0x7a: {  	v25 =	vld [tilespmem:s5+$0x20]  }
0x7b: {  	v26 =	vld [tilespmem:s25+$0xB0]  }
0x7c: {  	v27 =	vld [tilespmem:s5+$0x30]  }
0x7d: {  	v20 =	vadd.f32 v20, v21;
	v21 =	vld [tilespmem:s25+$0xC0]  }
0x7e: {  	v23 =	vadd.f32 v24, v23;
	v24 =	vld [tilespmem:s5+$0x40]  }
0x7f: {  	v28 =	vmul.f32 v20, v20;
	v22 =	vadd.f32 v25, v22;
	v25 =	vld [tilespmem:s5+$0x50]  }
0x80: {  	v29 =	vadd.f32 v23, v20;
	v30 =	vmul.f32 v23, v23;
	v31 =	vld [tilespmem:s25+$0xD0]  }
0x81: {  	v32 =	vmul.f32 v22, v22;
	v26 =	vadd.f32 v27, v26;
	v27 =	vld [tilespmem:s25+$0xE0]  }
0x82: {  	v28 =	vadd.f32 v30, v28;
	v29 =	vadd.f32 v22, v29;
	v30 =	vld [tilespmem:s5+$0x60]  }
0x83: {  	v33 =	vmul.f32 v26, v26;
	v21 =	vadd.f32 v24, v21;
	v24 =	vld [tilespmem:s25+$0xF0]  }
0x84: {  	v28 =	vadd.f32 v32, v28;
	v29 =	vadd.f32 v26, v29;
	v32 =	vld [tilespmem:s5+$0x70]  }
0x85: {  	v34 =	vmul.f32 v21, v21;
	v25 =	vadd.f32 v25, v31  }
0x86: {  	v28 =	vadd.f32 v33, v28;
	v29 =	vadd.f32 v21, v29  }
0x87: {  	v31 =	vmul.f32 v25, v25;
	v27 =	vadd.f32 v30, v27  }
0x88: {  	v28 =	vadd.f32 v34, v28;
	v29 =	vadd.f32 v25, v29  }
0x89: {  	v30 =	vmul.f32 v27, v27;
	v24 =	vadd.f32 v32, v24  }
0x8a: {  	v28 =	vadd.f32 v31, v28;
	v29 =	vadd.f32 v27, v29  }
0x8b: {  	v31 =	vmul.f32 v24, v24  }
0x8c: {  	v28 =	vadd.f32 v30, v28;
	v29 =	vadd.f32 v24, v29;
	_ =	sdelay $0x1  }
0x8d: {  	v28 =	vadd.f32 v31, v28;
	v30 =	vperm.xlane v29, v0;
	_ =	sdelay $0x1  }
0x8e: {  	v29 =	vadd.f32 v29, v30;
	v30 =	vperm.xlane v28, v0;
	_ =	sdelay $0x1  }
0x8f: {  	v31 =	vperm.xlane v29, v1;
	v28 =	vadd.f32 v30, v28;
	_ =	sdelay $0x1  }
0x90: {  	v29 =	vadd.f32 v29, v31;
	v30 =	vperm.xlane v28, v1;
	_ =	sdelay $0x1  }
0x91: {  	v31 =	vperm.xlane v29, v2;
	v28 =	vadd.f32 v30, v28;
	_ =	sdelay $0x1  }
0x92: {  	v29 =	vadd.f32 v29, v31;
	v30 =	vperm.xlane v28, v2;
	_ =	sdelay $0x1  }
0x93: {  	v31 =	vperm.xlane v29, v3;
	v28 =	vadd.f32 v30, v28;
	_ =	sdelay $0x1  }
0x94: {  	v29 =	vadd.f32 v29, v31;
	v30 =	vperm.xlane v28, v3;
	_ =	sdelay $0x1  }
0x95: {  	v29 =	vmul.f32 $7.812500000e-03, v29;
	v28 =	vadd.f32 v30, v28;
	_ =	sdelay $0x1  }
0x96: {  	v28 =	vmul.f32 $7.812500000e-03, v28;
	v30 =	vmul.f32 v29, v29;
	v31 =	vsub.f32 v20, v29  }
0x97: {  	v32 =	vsub.f32 v22, v29;
	v22 =	vsub.f32 v24, v29  }
0x98: {  	v24 =	vsub.f32 v27, v29;
	v20 =	vsub.f32 v28, v30  }
0x99: {  	v23 =	vsub.f32 v23, v29;
	v27 =	vsub.f32 v21, v29  }
0x9a: {  	v30 =	vsub.f32 v26, v29;
	v21 =	vadd.f32 $9.999999960e-13, v20  }
0x9b: {  	v20 =	vsub.f32 v25, v29  }
0x9c: {  	v25 =	vshra.s32 v21, $0x1;
	v21 =	vmul.f32 $5.000000000e-01, v21  }
0x9d: {  	v25 =	vsub.s32 $0x5F3759DF, v25  }
0x9e: {  	v26 =	vmul.f32 v25, v21;
	_ =	sdelay $0x1  }
0x9f: {  	v26 =	vmul.f32 v25, v26;
	_ =	sdelay $0x1  }
0xa0: {  	v26 =	vsub.f32 $1.500000000e+00, v26;
	_ =	sdelay $0x1  }
0xa1: {  	v25 =	vmul.f32 v25, v26;
	_ =	sdelay $0x1  }
0xa2: {  	v26 =	vmul.f32 v25, v21;
	_ =	sdelay $0x1  }
0xa3: {  	v26 =	vmul.f32 v26, v25;
	_ =	sdelay $0x1  }
0xa4: {  	v26 =	vsub.f32 $1.500000000e+00, v26;
	_ =	sdelay $0x1  }
0xa5: {  	v25 =	vmul.f32 v26, v25;
	_ =	sdelay $0x1  }
0xa6: {  	v21 =	vmul.f32 v25, v21;
	_ =	sdelay $0x1  }
0xa7: {  	v21 =	vmul.f32 v21, v25;
	_ =	sdelay $0x1  }
0xa8: {  	v21 =	vsub.f32 $1.500000000e+00, v21;
	_ =	sdelay $0x1  }
0xa9: {  	v21 =	vmul.f32 v21, v25;
	_ =	sdelay $0x1  }
.Ltmp0:
0xaa: {  	v25 =	vmul.f32 v21, v31;
	v22 =	vmul.f32 v21, v22;
	(pc) =	sbr.rel @p0 .LBB2_3-.Ltmp0, $4  }
0xab: {  	v26 =	vmul.f32 v21, v32;
	v24 =	vmul.f32 v21, v24  }
0xac: {  	v28 =	vmul.f32 v21, v23;
	v25 =	vmul.f32 v25, v4  }
0xad: {  	s29 =	sadd.s32 $0x1, s29;
	v23 =	vmul.f32 v21, v27;
	v26 =	vmul.f32 v26, v6  }
0xae: {  	s31 =	smulhi.u32 $0x51EB851F, s29;
	v28 =	vmul.f32 v28, v5;
	v27 =	vadd.f32 v25, v12;
	v25 =	vmul.f32 v21, v30  }
0xaf: {  	v26 =	vadd.f32 v26, v14;
	v24 =	vmul.f32 v24, v10  }
0xb0: {  	v22 =	vmul.f32 v22, v11;
	[tilespmem:s25+$0x80] =	vst v27;
	v36 =	vadd.f32 v28, v13;
	s4 =	sshrl.u32 s31, $0x6  }
0xb1: {  	v23 =	vmul.f32 v23, v8;
	v20 =	vmul.f32 v21, v20;
	[tilespmem:s25+$0xA0] =	vst v26;
	v24 =	vadd.f32 v24, v18;
	s4 =	smul.u32 $0xFFFE7000, s4  }
0xb2: {  	v37 =	vmul.f32 v25, v7;
	v22 =	vadd.f32 v22, v19;
	[tilespmem:s25+$0x90] =	vst v36  }
0xb3: {  	v23 =	vadd.f32 v23, v16;
	v20 =	vmul.f32 v20, v9;
	[tilespmem:s25+$0xE0] =	vst v24;
	s4 =	sshra.s32 s4, $0x2  }
0xb4: {  	s28 =	sshra.s32 s28, $0x2;
	v21 =	vadd.f32 v37, v15;
	[tilespmem:s25+$0xF0] =	vst v22;
	s4 =	sadd.s32 s4, s11  }
0xb5: {  	v20 =	vadd.f32 v20, v17;
	v22 =	vld [tilespmem:s28+$0x80];
	[tilespmem:s25+$0xC0] =	vst v23;
	s4 =	sadd.s32 s19, s4  }
0xb6: {  	v23 =	vld [tilespmem:s28+$0xA0];
	[tilespmem:s25+$0xB0] =	vst v21;
	s4 =	sadd.s32 s26, s4  }
0xb7: {  	v21 =	vld [tilespmem:s28+$0x90];
	[tilespmem:s25+$0xD0] =	vst v20;
	s4 =	sadd.s32 s28, s4  }
0xb8: {  	v20 =	vld [tilespmem:s4+$0x0]  }
0xb9: {  	v24 =	vld [tilespmem:s4+$0x10]  }
0xba: {  	v38 =	vld [tilespmem:s4+$0x20]  }
0xbb: {  	v26 =	vld [tilespmem:s28+$0xB0]  }
0xbc: {  	v27 =	vld [tilespmem:s4+$0x30]  }
0xbd: {  	v39 =	vld [tilespmem:s28+$0xC0]  }
0xbe: {  	v40 =	vld [tilespmem:s4+$0x40];
	v20 =	vadd.f32 v20, v22;
	v21 =	vadd.f32 v24, v21  }
0xbf: {  	v31 =	vld [tilespmem:s28+$0xD0];
	v23 =	vadd.f32 v38, v23  }
0xc0: {  	v29 =	vld [tilespmem:s4+$0x50];
	v41 =	vmul.f32 v20, v20;
	v42 =	vadd.f32 v21, v20;
	v30 =	vmul.f32 v21, v21  }
0xc1: {  	v43 =	vld [tilespmem:s28+$0xE0];
	v26 =	vadd.f32 v27, v26  }
0xc2: {  	v44 =	vld [tilespmem:s4+$0x60];
	v32 =	vmul.f32 v23, v23;
	v28 =	vadd.f32 v30, v41;
	v25 =	vadd.f32 v23, v42  }
0xc3: {  	v45 =	vld [tilespmem:s28+$0xF0];
	v22 =	vadd.f32 v40, v39  }
0xc4: {  	v46 =	vld [tilespmem:s4+$0x70];
	v33 =	vmul.f32 v26, v26;
	v28 =	vadd.f32 v32, v28;
	v25 =	vadd.f32 v26, v25  }
0xc5: {  	v29 =	vadd.f32 v29, v31  }
0xc6: {  	v47 =	vmul.f32 v22, v22;
	v28 =	vadd.f32 v33, v28;
	v25 =	vadd.f32 v22, v25  }
0xc7: {  	v27 =	vadd.f32 v44, v43  }
0xc8: {  	v48 =	vmul.f32 v29, v29;
	v28 =	vadd.f32 v47, v28;
	v25 =	vadd.f32 v29, v25  }
0xc9: {  	v24 =	vadd.f32 v46, v45  }
0xca: {  	v49 =	vmul.f32 v27, v27;
	v28 =	vadd.f32 v48, v28;
	v25 =	vadd.f32 v27, v25;
	_ =	sdelay $0x1  }
0xcb: {  	v50 =	vmul.f32 v24, v24;
	v28 =	vadd.f32 v49, v28;
	v25 =	vadd.f32 v24, v25;
	_ =	sdelay $0x1  }
0xcc: {  	v28 =	vadd.f32 v50, v28;
	v51 =	vperm.xlane v25, v0;
	_ =	sdelay $0x1  }
0xcd: {  	v25 =	vadd.f32 v25, v51;
	v52 =	vperm.xlane v28, v0;
	_ =	sdelay $0x1  }
0xce: {  	v53 =	vperm.xlane v25, v1;
	v28 =	vadd.f32 v52, v28;
	_ =	sdelay $0x1  }
0xcf: {  	v25 =	vadd.f32 v25, v53;
	v30 =	vperm.xlane v28, v1;
	_ =	sdelay $0x1  }
0xd0: {  	v31 =	vperm.xlane v25, v2;
	v28 =	vadd.f32 v30, v28;
	_ =	sdelay $0x1  }
0xd1: {  	v25 =	vadd.f32 v25, v31;
	v30 =	vperm.xlane v28, v2;
	_ =	sdelay $0x1  }
0xd2: {  	v31 =	vperm.xlane v25, v3;
	v28 =	vadd.f32 v30, v28;
	_ =	sdelay $0x1  }
0xd3: {  	v25 =	vadd.f32 v25, v31;
	v30 =	vperm.xlane v28, v3;
	_ =	sdelay $0x1  }
0xd4: {  	v25 =	vmul.f32 $7.812500000e-03, v25;
	v28 =	vadd.f32 v30, v28;
	_ =	sdelay $0x1  }
0xd5: {  	v28 =	vmul.f32 $7.812500000e-03, v28;
	v54 =	vmul.f32 v25, v25;
	_ =	sdelay $0x1  }
0xd6: {  	v28 =	vsub.f32 v28, v54;
	_ =	sdelay $0x1  }
0xd7: {  	v28 =	vadd.f32 $9.999999960e-13, v28;
	_ =	sdelay $0x1  }
0xd8: {  	v55 =	vshra.s32 v28, $0x1;
	v28 =	vmul.f32 $5.000000000e-01, v28  }
0xd9: {  	v30 =	vsub.s32 $0x5F3759DF, v55  }
0xda: {  	v56 =	vmul.f32 v30, v28;
	_ =	sdelay $0x1  }
0xdb: {  	v31 =	vmul.f32 v30, v56;
	_ =	sdelay $0x1  }
0xdc: {  	v31 =	vsub.f32 $1.500000000e+00, v31;
	_ =	sdelay $0x1  }
0xdd: {  	v30 =	vmul.f32 v30, v31;
	_ =	sdelay $0x1  }
0xde: {  	v31 =	vmul.f32 v30, v28;
	_ =	sdelay $0x1  }
0xdf: {  	v31 =	vmul.f32 v31, v30;
	_ =	sdelay $0x1  }
0xe0: {  	v31 =	vsub.f32 $1.500000000e+00, v31;
	_ =	sdelay $0x1  }
0xe1: {  	v30 =	vmul.f32 v31, v30;
	_ =	sdelay $0x1  }
0xe2: {  	v28 =	vmul.f32 v30, v28;
	_ =	sdelay $0x1  }
0xe3: {  	v28 =	vmul.f32 v28, v30;
	_ =	sdelay $0x1  }
0xe4: {  	v28 =	vsub.f32 $1.500000000e+00, v28;
	_ =	sdelay $0x1  }
0xe5: {  	v20 =	vsub.f32 v20, v25;
	v28 =	vmul.f32 v28, v30  }
0xe6: {  	v23 =	vsub.f32 v23, v25  }
0xe7: {  	v24 =	vsub.f32 v24, v25;
	v27 =	vsub.f32 v27, v25;
	v20 =	vmul.f32 v28, v20  }
0xe8: {  	v21 =	vsub.f32 v21, v25;
	v22 =	vsub.f32 v22, v25;
	v23 =	vmul.f32 v28, v23  }
0xe9: {  	v26 =	vsub.f32 v26, v25;
	v27 =	vmul.f32 v28, v27;
	v20 =	vmul.f32 v20, v4  }
0xea: {  	v25 =	vsub.f32 v29, v25;
	v21 =	vmul.f32 v28, v21;
	v23 =	vmul.f32 v23, v6  }
0xeb: {  	v22 =	vmul.f32 v28, v22;
	v27 =	vmul.f32 v27, v10;
	v20 =	vadd.f32 v20, v12  }
0xec: {  	v24 =	vmul.f32 v28, v24;
	v21 =	vmul.f32 v21, v5;
	v23 =	vadd.f32 v23, v14  }
0xed: {  	v26 =	vmul.f32 v28, v26;
	v22 =	vmul.f32 v22, v8;
	v59 =	vadd.f32 v27, v18;
	[tilespmem:s28+$0x80] =	vst v20  }
0xee: {  	v58 =	vmul.f32 v28, v25;
	v57 =	vmul.f32 v24, v11;
	v20 =	vadd.f32 v21, v13;
	[tilespmem:s28+$0xA0] =	vst v23  }
0xef: {  	v60 =	vmul.f32 v26, v7;
	v61 =	vadd.f32 v22, v16;
	[tilespmem:s28+$0xE0] =	vst v59  }
0xf0: {  	v62 =	vmul.f32 v58, v9;
	[tilespmem:s28+$0x90] =	vst v20;
	v20 =	vadd.f32 v57, v19  }
0xf1: {  	v63 =	vadd.f32 v60, v15;
	[tilespmem:s28+$0xC0] =	vst v61  }
0xf2: {  	s23 =	sadd.s32 $0x1, s23;
	[tilespmem:s28+$0xF0] =	vst v20;
	v20 =	vadd.f32 v62, v17  }
0xf3: {  	s31 =	sshll.u32 s24, $0x4;
	p0 =	sne.s32 s23, $0x32;
	[tilespmem:s28+$0xB0] =	vst v63  }
.Ltmp1:
0xf4: {  	s4 =	sadd.s32 s6, s31;
	[tilespmem:s28+$0xD0] =	vst v20;
	(pc) =	sbr.rel @p0 .LBB2_2-.Ltmp1, $4  }
0xf5: {  	[hbm4b:s4+s7] =	stream.linear.scatter [tilespmem:s17], [sflag:$0x2], $0x4000, $0x38;
	[tilespmem:$0xA580] =	vst v63  }
0xf6: {  	_ =	swait.ge [sflag:s14], $0x4000  }
0xf7: {  	[sflag:s14] =	ssyncset.done $0x0  }
0xf8: {  	s22 =	sadd.s32 $0x10000, s22;
	s21 =	sadd.s32 $0x80, s21;
	[sflag:s14] =	ssyncadd.s32 $0xFFFFC000  }
0xf9: {  	s20 =	sadd.s32 $0x1, s20  }
0xfa: {  	p0 =	sne.s32 s20, s10  }
.Ltmp2:
0xfb: {  	_ = 	snop;
	(pc) =	sbr.rel @p0 .LBB2_1-.Ltmp2, $1  }
0xfc: {  	_ =	sdelay $0x3  }
0xfd: {  	_ =	sfence.sel $0x180000  }
0xfe: {  	[bflag:$0x0] =	sbarrier.arrive $0xFFFF  }
0xff: {  	_ =	strace $0x90000047  }
0x100: {  	s0 =	stileid.u32;
	[bflag:$0x2] =	sbarrier.arrive $0xFFFF  }
0x101: {  	p0 =	sne.s32 s0, $0x0;
	s0 =	rddreg [dreg:$0x6]  }
0x102: {  	s0 =	sadd.s32 @!p0 $0x100000, s0  }
0x103: {  	[sflag:s0] =	ssyncadd.tile.s32 @!p0 $0x1;
	_ =	shalt  }
.Lfunc_end2:
_tile_overlayer_lowered:
.L_overlay_start_2:
0x104: {  	(tag) =	ssettag $0x2  }
0x105: {  	s0 =	rddreg [dreg:$0x0];
	s2 =	stileid.u32  }
0x106: {  	s1 =	rddreg [dreg:$0x1];
	p0 =	sne.s32 s2, $0x0  }
0x107: {  	s3 =	rddreg [dreg:$0x2];
	[bflag:$0x3] =	sbarrier.arrive $0xFFFF;
	s2 =	simm.s32 @!p0 $0x1C02  }
0x108: {  	[timem:s3], [sflag:s2] =	dma.local @!p0 [hbm:s0], s1  }
0x109: {  	s0 =	simm.s32 @!p0 $0x2  }
0x10a: {  	_ =	swait.ge @!p0 [sflag:s0], s1  }
0x10b: {  	s1 =	ssub.s32 @!p0 $0x0, s1;
	[sflag:s0] =	ssyncset.done @!p0 $0x0  }
0x10c: {  	[sflag:s0] =	ssyncadd.s32 @!p0 s1  }
0x10d: {  	[bflag:$0x3] =	sbarrier.arrive $0xFFFF  }
0x10e: {  	_ =	shalt  }

</sc_bundles>
